<compile_context>
chip_gen: v7x
topology: tpu7x:2x2x1
jax: 0.10.2.dev20260603
libtpu: 0.0.44.dev20260713+nightly
codegen_flags: <defaults>
</compile_context>

<pallas_src>
import functools

import jax
import jax.numpy as jnp
from jax import lax
from jax.experimental import pallas as pl
from jax.experimental.pallas import tpu as pltpu
from jax.experimental.pallas import tpu_sc as plsc

HEIGHT = 512
WIDTH = 512
INTENSITY = 255.0
NBINS = HEIGHT * WIDTH
HIST_WORDS = 2 * NBINS

N_POINTS = 2_000_000
CHUNK = 3200
KROWS = CHUNK // 128
NCHUNKS = N_POINTS // CHUNK
NC, NS = 2, 16
NW = NC * NS

MM_BLOCK = 40_960
MM_GRID = -(-N_POINTS // MM_BLOCK)

STRIPE = HIST_WORDS // NS
DUMP = NBINS // NS


def _minmax_body(pc_ref, o_ref, fl_ref):
    i = pl.program_id(0)
    d = pc_ref[:]
    d8 = jnp.concatenate(
        [d, jnp.zeros((5, MM_BLOCK), jnp.float32)], axis=0)
    fl_ref[:] = jnp.transpose(
        d8.reshape(8, MM_BLOCK // 128, 128), (1, 0, 2))
    cid = lax.broadcasted_iota(jnp.int32, (3, MM_BLOCK), 1)
    valid = (i * MM_BLOCK + cid) < N_POINTS
    dlo = jnp.where(valid, d, jnp.inf)
    dhi = jnp.where(valid, d, -jnp.inf)
    dmin = jnp.broadcast_to(jnp.min(dlo, axis=1, keepdims=True), (3, 128))
    dmax = jnp.broadcast_to(jnp.max(dhi, axis=1, keepdims=True), (3, 128))
    pad1 = jnp.zeros((1, 128), jnp.float32)
    cur = jnp.concatenate([dmin, pad1, dmax, pad1], axis=0)
    rows = lax.broadcasted_iota(jnp.int32, (8, 128), 0)
    acc = o_ref[:]
    comb = jnp.where(rows < 4, jnp.minimum(acc, cur), jnp.maximum(acc, cur))
    o_ref[:] = jnp.where(i == 0, cur, comb)


_minmax_call = pl.pallas_call(
    _minmax_body,
    grid=(MM_GRID,),
    in_specs=[pl.BlockSpec((3, MM_BLOCK), lambda i: (0, i))],
    out_specs=[pl.BlockSpec((8, 128), lambda i: (0, 0)),
               pl.BlockSpec((MM_BLOCK // 128, 8, 128), lambda i: (i, 0, 0))],
    out_shape=[jax.ShapeDtypeStruct((8, 128), jnp.float32),
               jax.ShapeDtypeStruct(
                   (MM_GRID * MM_BLOCK // 128, 8, 128), jnp.float32)],
)


def _combine_body(p_ref, o_ref):
    s = p_ref[0, 0] + p_ref[1, 0]
    c = p_ref[0, 1] + p_ref[1, 1]
    o_ref[:] = jnp.where(c > 0, s / c, 0.0)


_combine_call = pl.pallas_call(
    _combine_body,
    grid=(8,),
    in_specs=[pl.BlockSpec((2, 2, 64, 512), lambda r: (0, 0, r, 0))],
    out_specs=pl.BlockSpec((64, 512), lambda r: (r, 0)),
    out_shape=jax.ShapeDtypeStruct((HEIGHT, WIDTH), jnp.float32),
)


NPAIRS = (NCHUNKS // NW + 1 + 1) // 2


def _sc_body(pc_ref, mm_ref, out_ref,
             pcbuf, pcbufb, mmbuf, idxsa, zssa, idxsb, zssb,
             ones, obuf, hsum, hcnt, sema, semb, semia, semib):
    cid = lax.axis_index("c")
    sid = lax.axis_index("s")
    wid = sid * NC + cid

    def zero_obuf(t, _):
        obuf[pl.ds(t * 16, 16)] = jnp.zeros((16,), jnp.float32)
        return 0
    lax.fori_loop(0, DUMP // 16, zero_obuf, 0)
    pltpu.sync_copy(obuf, hsum.at[pl.ds(sid * DUMP, DUMP)])
    pltpu.sync_copy(obuf, hcnt.at[pl.ds(sid * DUMP, DUMP)])

    pltpu.sync_copy(mm_ref, mmbuf)
    xmin = mmbuf[pl.ds(0, 16)]
    ymin = mmbuf[pl.ds(128, 16)]
    zmin = mmbuf[pl.ds(256, 16)]
    xmax = mmbuf[pl.ds(512, 16)]
    ymax = mmbuf[pl.ds(640, 16)]
    zmax = mmbuf[pl.ds(768, 16)]
    rx = xmax - xmin
    ry = ymax - ymin
    rz = zmax - zmin

    def init_ones(t, _):
        ones[pl.ds(t * 16, 16)] = jnp.full((16,), 1.0, jnp.float32)
        return 0
    lax.fori_loop(0, CHUNK // 16, init_ones, 0)

    plsc.subcore_barrier()

    dummy = out_ref.at[cid, 0, pl.ds(0, CHUNK)]

    def compute_chunk(pcb, idxs, zss):
        def row_body(j, _):
            o128 = j * 128
            for u in range(8):
                xv = pcb[j, 0, pl.ds(u * 16, 16)]
                yv = pcb[j, 1, pl.ds(u * 16, 16)]
                zv = pcb[j, 2, pl.ds(u * 16, 16)]
                xb = ((xv - xmin) * (WIDTH - 1.0) / rx).astype(jnp.int32)
                yb = ((yv - ymin) * (HEIGHT - 1.0) / ry).astype(jnp.int32)
                idx = (511 - yb) * 512 + xb
                idx = jnp.minimum(jnp.maximum(idx, 0), NBINS - 1)
                zs = (zv - zmin) * INTENSITY / rz
                o = o128 + u * 16
                idxs[pl.ds(o, 16)] = idx
                zss[pl.ds(o, 16)] = zs
            return 0
        lax.fori_loop(0, KROWS, row_body, 0)

    def pair_body(p, _):
        g0 = wid + (2 * p) * NW
        g1 = g0 + NW

        @pl.when(g0 < NCHUNKS)
        def _():
            pltpu.async_copy(pc_ref.at[pl.ds(g0 * KROWS, KROWS)], pcbuf, semia)

        @pl.when(g1 < NCHUNKS)
        def _():
            pltpu.async_copy(pc_ref.at[pl.ds(g1 * KROWS, KROWS)], pcbufb,
                             semib)

        @pl.when(g0 < NCHUNKS)
        def _():
            pltpu.make_async_copy(pc_ref.at[pl.ds(g0 * KROWS, KROWS)],
                                  pcbuf, semia).wait()

            @pl.when(p > 0)
            def _():
                pltpu.make_async_copy(dummy, zssa, sema).wait()
                pltpu.make_async_copy(dummy, zssa, sema).wait()
            compute_chunk(pcbuf, idxsa, zssa)
            pltpu.async_copy(zssa, hsum.at[idxsa], sema, add=True)
            pltpu.async_copy(ones, hcnt.at[idxsa], sema, add=True)

        @pl.when(g1 < NCHUNKS)
        def _():
            pltpu.make_async_copy(pc_ref.at[pl.ds(g1 * KROWS, KROWS)],
                                  pcbufb, semib).wait()

            @pl.when(p > 0)
            def _():
                pltpu.make_async_copy(dummy, zssb, semb).wait()
                pltpu.make_async_copy(dummy, zssb, semb).wait()
            compute_chunk(pcbufb, idxsb, zssb)
            pltpu.async_copy(zssb, hsum.at[idxsb], semb, add=True)
            pltpu.async_copy(ones, hcnt.at[idxsb], semb, add=True)
        return 0
    lax.fori_loop(0, NPAIRS, pair_body, 0)

    pltpu.make_async_copy(dummy, zssa, sema).wait()
    pltpu.make_async_copy(dummy, zssa, sema).wait()
    pltpu.make_async_copy(dummy, zssb, semb).wait()
    pltpu.make_async_copy(dummy, zssb, semb).wait()

    plsc.subcore_barrier()

    pltpu.sync_copy(hsum.at[pl.ds(sid * DUMP, DUMP)], obuf)
    pltpu.sync_copy(obuf, out_ref.at[cid, 0, pl.ds(sid * DUMP, DUMP)])
    pltpu.sync_copy(hcnt.at[pl.ds(sid * DUMP, DUMP)], obuf)
    pltpu.sync_copy(obuf, out_ref.at[cid, 1, pl.ds(sid * DUMP, DUMP)])


_sc_call = pl.kernel(
    _sc_body,
    out_type=jax.ShapeDtypeStruct((NC, 2, NBINS), jnp.float32),
    mesh=plsc.VectorSubcoreMesh(core_axis_name="c", subcore_axis_name="s",
                                num_cores=NC, num_subcores=NS),
    scratch_types=[
        pltpu.VMEM((KROWS, 8, 128), jnp.float32),
        pltpu.VMEM((KROWS, 8, 128), jnp.float32),
        pltpu.VMEM((1024,), jnp.float32),
        pltpu.VMEM((CHUNK,), jnp.int32),
        pltpu.VMEM((CHUNK,), jnp.float32),
        pltpu.VMEM((CHUNK,), jnp.int32),
        pltpu.VMEM((CHUNK,), jnp.float32),
        pltpu.VMEM((CHUNK,), jnp.float32),
        pltpu.VMEM((DUMP,), jnp.float32),
        pltpu.VMEM_SHARED((NBINS,), jnp.float32),
        pltpu.VMEM_SHARED((NBINS,), jnp.float32),
        pltpu.SemaphoreType.DMA,
        pltpu.SemaphoreType.DMA,
        pltpu.SemaphoreType.DMA,
        pltpu.SemaphoreType.DMA,
    ],
    compiler_params=pltpu.CompilerParams(needs_layout_passes=False),
)


@jax.jit
def kernel(pc):
    mm, pcf = _minmax_call(pc.T)
    parts = _sc_call(pcf, mm.reshape(-1))
    return _combine_call(parts.reshape(NC, 2, HEIGHT, WIDTH))

# --- scband reference (transcript-rebuilt; emitter-appended) ---
"""Pipeline reference for scband-project-to-plane-32487132627565 (READ-ONLY COPY).

The authoritative reference and input builder live on the scoring server;
editing this copy changes nothing except your own understanding.
"""

import jax, jax.numpy as jnp
import numpy as np

HEIGHT = 512
WIDTH = 512
INTENSITY = 255.0


def setup_inputs(seed: int = 0) -> dict:
    key = jax.random.key(seed)
    pc = jax.random.normal(key, (2000000, 3), dtype=jnp.float32)
    return {"pc": pc}


def reference(pc):
    # _scale_point_cloud
    x = pc[:, 0]
    y = pc[:, 1]
    z = pc[:, 2]
    x_min, x_max = jnp.min(x), jnp.max(x)
    y_min, y_max = jnp.min(y), jnp.max(y)
    z_min, z_max = jnp.min(z), jnp.max(z)
    x = (WIDTH - 1) * (x - x_min) / (x_max - x_min)
    y = (HEIGHT - 1) * (y - y_min) / (y_max - y_min)
    z = INTENSITY * (z - z_min) / (z_max - z_min)

    # _compute_depth_map
    h_axis = jnp.arange(HEIGHT, dtype=jnp.float32)
    w_axis = jnp.arange(WIDTH, dtype=jnp.float32)
    x_bins = jnp.digitize(x, w_axis) - 1
    y_bins = jnp.digitize(y, h_axis) - 1

    hw_pixels_sum = jnp.zeros((HEIGHT, WIDTH), dtype=jnp.float32).at[y_bins, x_bins].add(z)
    hw_pixels_count = jnp.zeros((HEIGHT, WIDTH), dtype=jnp.float32).at[y_bins, x_bins].add(1.0)

    nonzero_mask = hw_pixels_count > 0
    safe_count = jnp.where(nonzero_mask, hw_pixels_count, 1.0)
    depth_map = jnp.where(nonzero_mask, hw_pixels_sum / safe_count, 0.0)

    # np.flip(..., axis=0)
    return jnp.flip(depth_map, axis=0)

if __name__ == "__main__":
    import jax
    _d = setup_inputs()
    print(jax.jit(kernel)(*tuple(_d.values())))

</pallas_src>

<mosaic_0001>
#map = affine_map<(d0, d1) -> (0, 0, 0)>
#map1 = affine_map<(d0, d1) -> (0)>
module attributes {stable_mosaic.version = 14 : i64} {
  func.func @_sc_body(%arg0: i32, %arg1: i32, %arg2: memref<15680x8x128xf32, #tpu.memory_space<hbm>>, %arg3: memref<1024xf32, #tpu.memory_space<hbm>>, %arg4: memref<2x2x262144xf32, #tpu.memory_space<hbm>>, %arg5: memref<25x8x128xf32, #tpu.memory_space<vmem>>, %arg6: memref<25x8x128xf32, #tpu.memory_space<vmem>>, %arg7: memref<1024xf32, #tpu.memory_space<vmem>>, %arg8: memref<3200xi32, #tpu.memory_space<vmem>>, %arg9: memref<3200xf32, #tpu.memory_space<vmem>>, %arg10: memref<3200xi32, #tpu.memory_space<vmem>>, %arg11: memref<3200xf32, #tpu.memory_space<vmem>>, %arg12: memref<3200xf32, #tpu.memory_space<vmem>>, %arg13: memref<16384xf32, #tpu.memory_space<vmem>>, %arg14: memref<262144xf32, #tpu.memory_space<vmem_shared>>, %arg15: memref<262144xf32, #tpu.memory_space<vmem_shared>>, %arg16: memref<!tpu.dma_semaphore, #tpu.memory_space<semaphore_mem>>, %arg17: memref<!tpu.dma_semaphore, #tpu.memory_space<semaphore_mem>>, %arg18: memref<!tpu.dma_semaphore, #tpu.memory_space<semaphore_mem>>, %arg19: memref<!tpu.dma_semaphore, #tpu.memory_space<semaphore_mem>>) attributes {dimension_semantics = [#tpu.dimension_semantics<core_parallel>, #tpu.dimension_semantics<subcore_parallel>], iteration_bounds = array<i64: 2, 16>, scalar_prefetch = 0 : i64, scratch_operands = 15 : i64, tpu.core_type = #tpu.core_type<sc_vector_subcore>, window_params = [{transform_indices = #map}, {transform_indices = #map1}, {transform_indices = #map}]} {
    %mul3A = arith.constant 2 : i32
    %mul3A_0 = arith.muli %arg1, %mul3A : i32
    %add3A = arith.addi %mul3A_0, %arg0 : i32
    %scan3A = arith.constant 0 : i32
    %scan3A_1 = arith.constant 0 : i32
    %scan3A_2 = arith.constant 1024 : i32
    %scan3A_3 = arith.addi %scan3A_1, %scan3A_2 : i32
    %scan3A_4 = arith.constant 1 : i32
    %scan3A_5 = scf.for %scan3A_76 = %scan3A_1 to %scan3A_3 step %scan3A_4 iter_args(%scan3A_77 = %scan3A) -> (i32)  : i32 {
      %broadcast_in_dim3A = arith.constant 0.000000e+00 : f32
      %broadcast_in_dim3A_78 = vector.broadcast %broadcast_in_dim3A : f32 to vector<16xf32>
      %mul3A_79 = arith.constant 16 : i32
      %mul3A_80 = arith.muli %scan3A_76, %mul3A_79 : i32
      %swap3A = arith.index_cast %mul3A_80 : i32 to index
      %swap3A_81 = tpu.vector_load %arg13[%swap3A] {strides = array<i32>} : memref<16384xf32, #tpu.memory_space<vmem>>, vector<16xf32>,
      tpu.vector_store %arg13[%swap3A], %broadcast_in_dim3A_78 {strides = array<i32>} : memref<16384xf32, #tpu.memory_space<vmem>>, vector<16xf32>,
      %scan3A_82 = arith.constant 0 : i32
      scf.yield %scan3A_82 : i32
    }
    %scan3A_6 = arith.constant 1024 : i32
    %mul3A_7 = arith.constant 16384 : i32
    %mul3A_8 = arith.muli %arg1, %mul3A_7 : i32
    "tpu.region"() ({
      %run_scoped3A_76 = tpu.sem_alloc : memref<!tpu.dma_semaphore, #tpu.memory_space<semaphore_mem>>
      %dma_start3A = tpu.memref_slice %arg14[%mul3A_8] : memref<262144xf32, #tpu.memory_space<vmem_shared>> -> memref<16384xf32, #tpu.memory_space<vmem_shared>>
      %dma_start3A_77 = tpu.memref_slice %arg14[%mul3A_8] : memref<262144xf32, #tpu.memory_space<vmem_shared>> -> memref<16384xf32, #tpu.memory_space<vmem_shared>>
      tpu.enqueue_dma source(%arg13 : memref<16384xf32, #tpu.memory_space<vmem>>) target(%dma_start3A_77 : memref<16384xf32, #tpu.memory_space<vmem_shared>>) target_semaphore(%run_scoped3A_76 : memref<!tpu.dma_semaphore, #tpu.memory_space<semaphore_mem>>)
      %dma_wait3A_78 = tpu.memref_slice %arg14[%mul3A_8] : memref<262144xf32, #tpu.memory_space<vmem_shared>> -> memref<16384xf32, #tpu.memory_space<vmem_shared>>
      %dma_wait3A_79 = tpu.memref_slice %arg14[%mul3A_8] : memref<262144xf32, #tpu.memory_space<vmem_shared>> -> memref<16384xf32, #tpu.memory_space<vmem_shared>>
      tpu.wait_dma2 semaphore(%run_scoped3A_76 : memref<!tpu.dma_semaphore, #tpu.memory_space<semaphore_mem>>) src(%arg13 : memref<16384xf32, #tpu.memory_space<vmem>>) dst(%dma_wait3A_79 : memref<16384xf32, #tpu.memory_space<vmem_shared>>)
      tpu.yield
    }) : () -> ()
    %mul3A_9 = arith.constant 16384 : i32
    %mul3A_10 = arith.muli %arg1, %mul3A_9 : i32
    "tpu.region"() ({
      %run_scoped3A_76 = tpu.sem_alloc : memref<!tpu.dma_semaphore, #tpu.memory_space<semaphore_mem>>
      %dma_start3A = tpu.memref_slice %arg15[%mul3A_10] : memref<262144xf32, #tpu.memory_space<vmem_shared>> -> memref<16384xf32, #tpu.memory_space<vmem_shared>>
      %dma_start3A_77 = tpu.memref_slice %arg15[%mul3A_10] : memref<262144xf32, #tpu.memory_space<vmem_shared>> -> memref<16384xf32, #tpu.memory_space<vmem_shared>>
      tpu.enqueue_dma source(%arg13 : memref<16384xf32, #tpu.memory_space<vmem>>) target(%dma_start3A_77 : memref<16384xf32, #tpu.memory_space<vmem_shared>>) target_semaphore(%run_scoped3A_76 : memref<!tpu.dma_semaphore, #tpu.memory_space<semaphore_mem>>)
      %dma_wait3A_78 = tpu.memref_slice %arg15[%mul3A_10] : memref<262144xf32, #tpu.memory_space<vmem_shared>> -> memref<16384xf32, #tpu.memory_space<vmem_shared>>
      %dma_wait3A_79 = tpu.memref_slice %arg15[%mul3A_10] : memref<262144xf32, #tpu.memory_space<vmem_shared>> -> memref<16384xf32, #tpu.memory_space<vmem_shared>>
      tpu.wait_dma2 semaphore(%run_scoped3A_76 : memref<!tpu.dma_semaphore, #tpu.memory_space<semaphore_mem>>) src(%arg13 : memref<16384xf32, #tpu.memory_space<vmem>>) dst(%dma_wait3A_79 : memref<16384xf32, #tpu.memory_space<vmem_shared>>)
      tpu.yield
    }) : () -> ()
    "tpu.region"() ({
      %run_scoped3A_76 = tpu.sem_alloc : memref<!tpu.dma_semaphore, #tpu.memory_space<semaphore_mem>>
      tpu.enqueue_dma source(%arg3 : memref<1024xf32, #tpu.memory_space<hbm>>) target(%arg7 : memref<1024xf32, #tpu.memory_space<vmem>>) target_semaphore(%run_scoped3A_76 : memref<!tpu.dma_semaphore, #tpu.memory_space<semaphore_mem>>)
      tpu.wait_dma2 semaphore(%run_scoped3A_76 : memref<!tpu.dma_semaphore, #tpu.memory_space<semaphore_mem>>) src(%arg3 : memref<1024xf32, #tpu.memory_space<hbm>>) dst(%arg7 : memref<1024xf32, #tpu.memory_space<vmem>>)
      tpu.yield
    }) : () -> ()
    %get3A = arith.constant 0 : index
    %get3A_11 = tpu.vector_load %arg7[%get3A] {strides = array<i32>} : memref<1024xf32, #tpu.memory_space<vmem>>, vector<16xf32>,
    %get3A_12 = arith.constant 128 : index
    %get3A_13 = tpu.vector_load %arg7[%get3A_12] {strides = array<i32>} : memref<1024xf32, #tpu.memory_space<vmem>>, vector<16xf32>,
    %get3A_14 = arith.constant 256 : index
    %get3A_15 = tpu.vector_load %arg7[%get3A_14] {strides = array<i32>} : memref<1024xf32, #tpu.memory_space<vmem>>, vector<16xf32>,
    %get3A_16 = arith.constant 512 : index
    %get3A_17 = tpu.vector_load %arg7[%get3A_16] {strides = array<i32>} : memref<1024xf32, #tpu.memory_space<vmem>>, vector<16xf32>,
    %get3A_18 = arith.constant 640 : index
    %get3A_19 = tpu.vector_load %arg7[%get3A_18] {strides = array<i32>} : memref<1024xf32, #tpu.memory_space<vmem>>, vector<16xf32>,
    %get3A_20 = arith.constant 768 : index
    %get3A_21 = tpu.vector_load %arg7[%get3A_20] {strides = array<i32>} : memref<1024xf32, #tpu.memory_space<vmem>>, vector<16xf32>,
    %sub3A = arith.subf %get3A_17, %get3A_11 : vector<16xf32>
    %sub3A_22 = arith.subf %get3A_19, %get3A_13 : vector<16xf32>
    %sub3A_23 = arith.subf %get3A_21, %get3A_15 : vector<16xf32>
    %scan3A_24 = arith.constant 0 : i32
    %scan3A_25 = arith.constant 0 : i32
    %scan3A_26 = arith.constant 200 : i32
    %scan3A_27 = arith.addi %scan3A_25, %scan3A_26 : i32
    %scan3A_28 = arith.constant 1 : i32
    %scan3A_29 = scf.for %scan3A_76 = %scan3A_25 to %scan3A_27 step %scan3A_28 iter_args(%scan3A_77 = %scan3A_24) -> (i32)  : i32 {
      %broadcast_in_dim3A = arith.constant 1.000000e+00 : f32
      %broadcast_in_dim3A_78 = vector.broadcast %broadcast_in_dim3A : f32 to vector<16xf32>
      %mul3A_79 = arith.constant 16 : i32
      %mul3A_80 = arith.muli %scan3A_76, %mul3A_79 : i32
      %swap3A = arith.index_cast %mul3A_80 : i32 to index
      %swap3A_81 = tpu.vector_load %arg12[%swap3A] {strides = array<i32>} : memref<3200xf32, #tpu.memory_space<vmem>>, vector<16xf32>,
      tpu.vector_store %arg12[%swap3A], %broadcast_in_dim3A_78 {strides = array<i32>} : memref<3200xf32, #tpu.memory_space<vmem>>, vector<16xf32>,
      %scan3A_82 = arith.constant 0 : i32
      scf.yield %scan3A_82 : i32
    }
    %scan3A_30 = arith.constant 200 : i32
    %barrier3A = arith.constant 0 : index
    tpu.barrier barrier_id(%barrier3A)
    %scan3A_31 = arith.constant 0 : i32
    %scan3A_32 = arith.constant 0 : i32
    %scan3A_33 = arith.constant 0 : i32
    %scan3A_34 = arith.constant 10 : i32
    %scan3A_35 = arith.addi %scan3A_33, %scan3A_34 : i32
    %scan3A_36 = arith.constant 1 : i32
    %scan3A_37 = scf.for %scan3A_76 = %scan3A_33 to %scan3A_35 step %scan3A_36 iter_args(%scan3A_77 = %scan3A_32) -> (i32)  : i32 {
      %mul3A_78 = arith.constant 2 : i32
      %mul3A_79 = arith.muli %mul3A_78, %scan3A_76 : i32
      %mul3A_80 = arith.constant 32 : i32
      %mul3A_81 = arith.muli %mul3A_79, %mul3A_80 : i32
      %add3A_82 = arith.addi %add3A, %mul3A_81 : i32
      %add3A_83 = arith.constant 32 : i32
      %add3A_84 = arith.addi %add3A_82, %add3A_83 : i32
      %lt3A = arith.constant 625 : i32
      %lt3A_85 = arith.cmpi slt, %add3A_82, %lt3A : i32
      %convert_element_type3A = arith.extui %lt3A_85 : i1 to i32
      %cond3A = arith.constant 0 : i32
      %cond3A_86 = arith.cmpi ne, %convert_element_type3A, %cond3A : i32
      scf.if %cond3A_86 {
        %mul3A_103 = arith.constant 25 : i32
        %mul3A_104 = arith.muli %add3A_82, %mul3A_103 : i32
        %dma_start3A = arith.constant 0 : i32
        %dma_start3A_105 = arith.constant 0 : i32
        %dma_start3A_106 = tpu.memref_slice %arg2[%mul3A_104, %dma_start3A, %dma_start3A_105] : memref<15680x8x128xf32, #tpu.memory_space<hbm>> -> memref<25x8x128xf32, #tpu.memory_space<hbm>>
        %dma_start3A_107 = arith.constant 0 : i32
        %dma_start3A_108 = arith.constant 0 : i32
        %dma_start3A_109 = tpu.memref_slice %arg2[%mul3A_104, %dma_start3A_107, %dma_start3A_108] : memref<15680x8x128xf32, #tpu.memory_space<hbm>> -> memref<25x8x128xf32, #tpu.memory_space<hbm>>
        tpu.enqueue_dma source(%dma_start3A_109 : memref<25x8x128xf32, #tpu.memory_space<hbm>>) target(%arg5 : memref<25x8x128xf32, #tpu.memory_space<vmem>>) target_semaphore(%arg18 : memref<!tpu.dma_semaphore, #tpu.memory_space<semaphore_mem>>)
      } else {
      }
      %lt3A_87 = arith.constant 625 : i32
      %lt3A_88 = arith.cmpi slt, %add3A_84, %lt3A_87 : i32
      %convert_element_type3A_89 = arith.extui %lt3A_88 : i1 to i32
      %cond3A_90 = arith.constant 0 : i32
      %cond3A_91 = arith.cmpi ne, %convert_element_type3A_89, %cond3A_90 : i32
      scf.if %cond3A_91 {
        %mul3A_103 = arith.constant 25 : i32
        %mul3A_104 = arith.muli %add3A_84, %mul3A_103 : i32
        %dma_start3A = arith.constant 0 : i32
        %dma_start3A_105 = arith.constant 0 : i32
        %dma_start3A_106 = tpu.memref_slice %arg2[%mul3A_104, %dma_start3A, %dma_start3A_105] : memref<15680x8x128xf32, #tpu.memory_space<hbm>> -> memref<25x8x128xf32, #tpu.memory_space<hbm>>
        %dma_start3A_107 = arith.constant 0 : i32
        %dma_start3A_108 = arith.constant 0 : i32
        %dma_start3A_109 = tpu.memref_slice %arg2[%mul3A_104, %dma_start3A_107, %dma_start3A_108] : memref<15680x8x128xf32, #tpu.memory_space<hbm>> -> memref<25x8x128xf32, #tpu.memory_space<hbm>>
        tpu.enqueue_dma source(%dma_start3A_109 : memref<25x8x128xf32, #tpu.memory_space<hbm>>) target(%arg6 : memref<25x8x128xf32, #tpu.memory_space<vmem>>) target_semaphore(%arg19 : memref<!tpu.dma_semaphore, #tpu.memory_space<semaphore_mem>>)
      } else {
      }
      %lt3A_92 = arith.constant 625 : i32
      %lt3A_93 = arith.cmpi slt, %add3A_82, %lt3A_92 : i32
      %convert_element_type3A_94 = arith.extui %lt3A_93 : i1 to i32
      %cond3A_95 = arith.constant 0 : i32
      %cond3A_96 = arith.cmpi ne, %convert_element_type3A_94, %cond3A_95 : i32
      scf.if %cond3A_96 {
        %mul3A_103 = arith.constant 25 : i32
        %mul3A_104 = arith.muli %add3A_82, %mul3A_103 : i32
        %dma_wait3A_105 = arith.constant 0 : i32
        %dma_wait3A_106 = arith.constant 0 : i32
        %dma_wait3A_107 = tpu.memref_slice %arg2[%mul3A_104, %dma_wait3A_105, %dma_wait3A_106] : memref<15680x8x128xf32, #tpu.memory_space<hbm>> -> memref<25x8x128xf32, #tpu.memory_space<hbm>>
        %dma_wait3A_108 = arith.constant 0 : i32
        %dma_wait3A_109 = arith.constant 0 : i32
        %dma_wait3A_110 = tpu.memref_slice %arg2[%mul3A_104, %dma_wait3A_108, %dma_wait3A_109] : memref<15680x8x128xf32, #tpu.memory_space<hbm>> -> memref<25x8x128xf32, #tpu.memory_space<hbm>>
        tpu.wait_dma2 semaphore(%arg18 : memref<!tpu.dma_semaphore, #tpu.memory_space<semaphore_mem>>) src(%dma_wait3A_110 : memref<25x8x128xf32, #tpu.memory_space<hbm>>) dst(%arg5 : memref<25x8x128xf32, #tpu.memory_space<vmem>>)
        %gt3A = arith.constant 0 : i32
        %gt3A_111 = arith.cmpi sgt, %scan3A_76, %gt3A : i32
        %convert_element_type3A_112 = arith.extui %gt3A_111 : i1 to i32
        %cond3A_113 = arith.constant 0 : i32
        %cond3A_114 = arith.cmpi ne, %convert_element_type3A_112, %cond3A_113 : i32
        scf.if %cond3A_114 {
          %dma_wait3A_125 = arith.constant 0 : i32
          %dma_wait3A_126 = tpu.memref_slice %arg4[%arg0, %scan3A_31, %dma_wait3A_125] : memref<2x2x262144xf32, #tpu.memory_space<hbm>> -> memref<1x1x3200xf32, #tpu.memory_space<hbm>>
          %dma_wait3A_127 = tpu.memref_squeeze %dma_wait3A_126 : memref<1x1x3200xf32, #tpu.memory_space<hbm>> -> memref<3200xf32, #tpu.memory_space<hbm>>
          %dma_wait3A_128 = arith.constant 0 : i32
          %dma_wait3A_129 = tpu.memref_slice %arg4[%arg0, %scan3A_31, %dma_wait3A_128] : memref<2x2x262144xf32, #tpu.memory_space<hbm>> -> memref<1x1x3200xf32, #tpu.memory_space<hbm>>
          %dma_wait3A_130 = tpu.memref_squeeze %dma_wait3A_129 : memref<1x1x3200xf32, #tpu.memory_space<hbm>> -> memref<3200xf32, #tpu.memory_space<hbm>>
          tpu.wait_dma2 semaphore(%arg16 : memref<!tpu.dma_semaphore, #tpu.memory_space<semaphore_mem>>) src(%dma_wait3A_130 : memref<3200xf32, #tpu.memory_space<hbm>>) dst(%arg9 : memref<3200xf32, #tpu.memory_space<vmem>>)
          %dma_wait3A_131 = arith.constant 0 : i32
          %dma_wait3A_132 = tpu.memref_slice %arg4[%arg0, %scan3A_31, %dma_wait3A_131] : memref<2x2x262144xf32, #tpu.memory_space<hbm>> -> memref<1x1x3200xf32, #tpu.memory_space<hbm>>
          %dma_wait3A_133 = tpu.memref_squeeze %dma_wait3A_132 : memref<1x1x3200xf32, #tpu.memory_space<hbm>> -> memref<3200xf32, #tpu.memory_space<hbm>>
          %dma_wait3A_134 = arith.constant 0 : i32
          %dma_wait3A_135 = tpu.memref_slice %arg4[%arg0, %scan3A_31, %dma_wait3A_134] : memref<2x2x262144xf32, #tpu.memory_space<hbm>> -> memref<1x1x3200xf32, #tpu.memory_space<hbm>>
          %dma_wait3A_136 = tpu.memref_squeeze %dma_wait3A_135 : memref<1x1x3200xf32, #tpu.memory_space<hbm>> -> memref<3200xf32, #tpu.memory_space<hbm>>
          tpu.wait_dma2 semaphore(%arg16 : memref<!tpu.dma_semaphore, #tpu.memory_space<semaphore_mem>>) src(%dma_wait3A_136 : memref<3200xf32, #tpu.memory_space<hbm>>) dst(%arg9 : memref<3200xf32, #tpu.memory_space<vmem>>)
        } else {
        }
        %scan3A_115 = arith.constant 0 : i32
        %scan3A_116 = arith.constant 0 : i32
        %scan3A_117 = arith.constant 25 : i32
        %scan3A_118 = arith.addi %scan3A_116, %scan3A_117 : i32
        %scan3A_119 = arith.constant 1 : i32
        %scan3A_120 = scf.for %scan3A_125 = %scan3A_116 to %scan3A_118 step %scan3A_119 iter_args(%scan3A_126 = %scan3A_115) -> (i32)  : i32 {
          %mul3A_127 = arith.constant 128 : i32
          %mul3A_128 = arith.muli %scan3A_125, %mul3A_127 : i32
          %get3A_129 = arith.constant 0 : i32
          %get3A_130 = arith.index_cast %scan3A_125 : i32 to index
          %get3A_131 = arith.index_cast %get3A_129 : i32 to index
          %get3A_132 = arith.constant 0 : index
          %get3A_133 = tpu.vector_load %arg5[%get3A_130, %get3A_131, %get3A_132] {strides = array<i32>} : memref<25x8x128xf32, #tpu.memory_space<vmem>>, vector<16xf32>,
          %get3A_134 = arith.constant 1 : i32
          %get3A_135 = arith.index_cast %scan3A_125 : i32 to index
          %get3A_136 = arith.index_cast %get3A_134 : i32 to index
          %get3A_137 = arith.constant 0 : index
          %get3A_138 = tpu.vector_load %arg5[%get3A_135, %get3A_136, %get3A_137] {strides = array<i32>} : memref<25x8x128xf32, #tpu.memory_space<vmem>>, vector<16xf32>,
          %get3A_139 = arith.constant 2 : i32
          %get3A_140 = arith.index_cast %scan3A_125 : i32 to index
          %get3A_141 = arith.index_cast %get3A_139 : i32 to index
          %get3A_142 = arith.constant 0 : index
          %get3A_143 = tpu.vector_load %arg5[%get3A_140, %get3A_141, %get3A_142] {strides = array<i32>} : memref<25x8x128xf32, #tpu.memory_space<vmem>>, vector<16xf32>,
          %sub3A_144 = arith.subf %get3A_133, %get3A_11 : vector<16xf32>
          %mul3A_145 = arith.constant 5.110000e+02 : f32
          %mul3A_146 = vector.broadcast %mul3A_145 : f32 to vector<16xf32>
          %mul3A_147 = arith.mulf %sub3A_144, %mul3A_146 : vector<16xf32>
          %div3A = arith.divf %mul3A_147, %sub3A : vector<16xf32>
          %convert_element_type3A_148 = arith.fptosi %div3A : vector<16xf32> to vector<16xi32>
          %sub3A_149 = arith.subf %get3A_138, %get3A_13 : vector<16xf32>
          %mul3A_150 = arith.constant 5.110000e+02 : f32
          %mul3A_151 = vector.broadcast %mul3A_150 : f32 to vector<16xf32>
          %mul3A_152 = arith.mulf %sub3A_149, %mul3A_151 : vector<16xf32>
          %div3A_153 = arith.divf %mul3A_152, %sub3A_22 : vector<16xf32>
          %convert_element_type3A_154 = arith.fptosi %div3A_153 : vector<16xf32> to vector<16xi32>
          %sub3A_155 = arith.constant 511 : i32
          %sub3A_156 = vector.broadcast %sub3A_155 : i32 to vector<16xi32>
          %sub3A_157 = arith.subi %sub3A_156, %convert_element_type3A_154 : vector<16xi32>
          %mul3A_158 = arith.constant 512 : i32
          %mul3A_159 = vector.broadcast %mul3A_158 : i32 to vector<16xi32>
          %mul3A_160 = arith.muli %sub3A_157, %mul3A_159 : vector<16xi32>
          %add3A_161 = arith.addi %mul3A_160, %convert_element_type3A_148 : vector<16xi32>
          %max3A = arith.constant 0 : i32
          %max3A_162 = vector.broadcast %max3A : i32 to vector<16xi32>
          %max3A_163 = arith.maxsi %add3A_161, %max3A_162 : vector<16xi32>
          %min3A = arith.constant 262143 : i32
          %min3A_164 = vector.broadcast %min3A : i32 to vector<16xi32>
          %min3A_165 = arith.minsi %max3A_163, %min3A_164 : vector<16xi32>
          %sub3A_166 = arith.subf %get3A_143, %get3A_15 : vector<16xf32>
          %mul3A_167 = arith.constant 2.550000e+02 : f32
          %mul3A_168 = vector.broadcast %mul3A_167 : f32 to vector<16xf32>
          %mul3A_169 = arith.mulf %sub3A_166, %mul3A_168 : vector<16xf32>
          %div3A_170 = arith.divf %mul3A_169, %sub3A_23 : vector<16xf32>
          %add3A_171 = arith.constant 0 : i32
          %add3A_172 = arith.addi %mul3A_128, %add3A_171 : i32
          %swap3A = arith.index_cast %add3A_172 : i32 to index
          %swap3A_173 = tpu.vector_load %arg8[%swap3A] {strides = array<i32>} : memref<3200xi32, #tpu.memory_space<vmem>>, vector<16xi32>,
          tpu.vector_store %arg8[%swap3A], %min3A_165 {strides = array<i32>} : memref<3200xi32, #tpu.memory_space<vmem>>, vector<16xi32>,
          %swap3A_174 = arith.index_cast %add3A_172 : i32 to index
          %swap3A_175 = tpu.vector_load %arg9[%swap3A_174] {strides = array<i32>} : memref<3200xf32, #tpu.memory_space<vmem>>, vector<16xf32>,
          tpu.vector_store %arg9[%swap3A_174], %div3A_170 {strides = array<i32>} : memref<3200xf32, #tpu.memory_space<vmem>>, vector<16xf32>,
          %get3A_176 = arith.constant 0 : i32
          %get3A_177 = arith.index_cast %scan3A_125 : i32 to index
          %get3A_178 = arith.index_cast %get3A_176 : i32 to index
          %get3A_179 = arith.constant 16 : index
          %get3A_180 = tpu.vector_load %arg5[%get3A_177, %get3A_178, %get3A_179] {strides = array<i32>} : memref<25x8x128xf32, #tpu.memory_space<vmem>>, vector<16xf32>,
          %get3A_181 = arith.constant 1 : i32
          %get3A_182 = arith.index_cast %scan3A_125 : i32 to index
          %get3A_183 = arith.index_cast %get3A_181 : i32 to index
          %get3A_184 = arith.constant 16 : index
          %get3A_185 = tpu.vector_load %arg5[%get3A_182, %get3A_183, %get3A_184] {strides = array<i32>} : memref<25x8x128xf32, #tpu.memory_space<vmem>>, vector<16xf32>,
          %get3A_186 = arith.constant 2 : i32
          %get3A_187 = arith.index_cast %scan3A_125 : i32 to index
          %get3A_188 = arith.index_cast %get3A_186 : i32 to index
          %get3A_189 = arith.constant 16 : index
          %get3A_190 = tpu.vector_load %arg5[%get3A_187, %get3A_188, %get3A_189] {strides = array<i32>} : memref<25x8x128xf32, #tpu.memory_space<vmem>>, vector<16xf32>,
          %sub3A_191 = arith.subf %get3A_180, %get3A_11 : vector<16xf32>
          %mul3A_192 = arith.constant 5.110000e+02 : f32
          %mul3A_193 = vector.broadcast %mul3A_192 : f32 to vector<16xf32>
          %mul3A_194 = arith.mulf %sub3A_191, %mul3A_193 : vector<16xf32>
          %div3A_195 = arith.divf %mul3A_194, %sub3A : vector<16xf32>
          %convert_element_type3A_196 = arith.fptosi %div3A_195 : vector<16xf32> to vector<16xi32>
          %sub3A_197 = arith.subf %get3A_185, %get3A_13 : vector<16xf32>
          %mul3A_198 = arith.constant 5.110000e+02 : f32
          %mul3A_199 = vector.broadcast %mul3A_198 : f32 to vector<16xf32>
          %mul3A_200 = arith.mulf %sub3A_197, %mul3A_199 : vector<16xf32>
          %div3A_201 = arith.divf %mul3A_200, %sub3A_22 : vector<16xf32>
          %convert_element_type3A_202 = arith.fptosi %div3A_201 : vector<16xf32> to vector<16xi32>
          %sub3A_203 = arith.constant 511 : i32
          %sub3A_204 = vector.broadcast %sub3A_203 : i32 to vector<16xi32>
          %sub3A_205 = arith.subi %sub3A_204, %convert_element_type3A_202 : vector<16xi32>
          %mul3A_206 = arith.constant 512 : i32
          %mul3A_207 = vector.broadcast %mul3A_206 : i32 to vector<16xi32>
          %mul3A_208 = arith.muli %sub3A_205, %mul3A_207 : vector<16xi32>
          %add3A_209 = arith.addi %mul3A_208, %convert_element_type3A_196 : vector<16xi32>
          %max3A_210 = arith.constant 0 : i32
          %max3A_211 = vector.broadcast %max3A_210 : i32 to vector<16xi32>
          %max3A_212 = arith.maxsi %add3A_209, %max3A_211 : vector<16xi32>
          %min3A_213 = arith.constant 262143 : i32
          %min3A_214 = vector.broadcast %min3A_213 : i32 to vector<16xi32>
          %min3A_215 = arith.minsi %max3A_212, %min3A_214 : vector<16xi32>
          %sub3A_216 = arith.subf %get3A_190, %get3A_15 : vector<16xf32>
          %mul3A_217 = arith.constant 2.550000e+02 : f32
          %mul3A_218 = vector.broadcast %mul3A_217 : f32 to vector<16xf32>
          %mul3A_219 = arith.mulf %sub3A_216, %mul3A_218 : vector<16xf32>
          %div3A_220 = arith.divf %mul3A_219, %sub3A_23 : vector<16xf32>
          %add3A_221 = arith.constant 16 : i32
          %add3A_222 = arith.addi %mul3A_128, %add3A_221 : i32
          %swap3A_223 = arith.index_cast %add3A_222 : i32 to index
          %swap3A_224 = tpu.vector_load %arg8[%swap3A_223] {strides = array<i32>} : memref<3200xi32, #tpu.memory_space<vmem>>, vector<16xi32>,
          tpu.vector_store %arg8[%swap3A_223], %min3A_215 {strides = array<i32>} : memref<3200xi32, #tpu.memory_space<vmem>>, vector<16xi32>,
          %swap3A_225 = arith.index_cast %add3A_222 : i32 to index
          %swap3A_226 = tpu.vector_load %arg9[%swap3A_225] {strides = array<i32>} : memref<3200xf32, #tpu.memory_space<vmem>>, vector<16xf32>,
          tpu.vector_store %arg9[%swap3A_225], %div3A_220 {strides = array<i32>} : memref<3200xf32, #tpu.memory_space<vmem>>, vector<16xf32>,
          %get3A_227 = arith.constant 0 : i32
          %get3A_228 = arith.index_cast %scan3A_125 : i32 to index
          %get3A_229 = arith.index_cast %get3A_227 : i32 to index
          %get3A_230 = arith.constant 32 : index
          %get3A_231 = tpu.vector_load %arg5[%get3A_228, %get3A_229, %get3A_230] {strides = array<i32>} : memref<25x8x128xf32, #tpu.memory_space<vmem>>, vector<16xf32>,
          %get3A_232 = arith.constant 1 : i32
          %get3A_233 = arith.index_cast %scan3A_125 : i32 to index
          %get3A_234 = arith.index_cast %get3A_232 : i32 to index
          %get3A_235 = arith.constant 32 : index
          %get3A_236 = tpu.vector_load %arg5[%get3A_233, %get3A_234, %get3A_235] {strides = array<i32>} : memref<25x8x128xf32, #tpu.memory_space<vmem>>, vector<16xf32>,
          %get3A_237 = arith.constant 2 : i32
          %get3A_238 = arith.index_cast %scan3A_125 : i32 to index
          %get3A_239 = arith.index_cast %get3A_237 : i32 to index
          %get3A_240 = arith.constant 32 : index
          %get3A_241 = tpu.vector_load %arg5[%get3A_238, %get3A_239, %get3A_240] {strides = array<i32>} : memref<25x8x128xf32, #tpu.memory_space<vmem>>, vector<16xf32>,
          %sub3A_242 = arith.subf %get3A_231, %get3A_11 : vector<16xf32>
          %mul3A_243 = arith.constant 5.110000e+02 : f32
          %mul3A_244 = vector.broadcast %mul3A_243 : f32 to vector<16xf32>
          %mul3A_245 = arith.mulf %sub3A_242, %mul3A_244 : vector<16xf32>
          %div3A_246 = arith.divf %mul3A_245, %sub3A : vector<16xf32>
          %convert_element_type3A_247 = arith.fptosi %div3A_246 : vector<16xf32> to vector<16xi32>
          %sub3A_248 = arith.subf %get3A_236, %get3A_13 : vector<16xf32>
          %mul3A_249 = arith.constant 5.110000e+02 : f32
          %mul3A_250 = vector.broadcast %mul3A_249 : f32 to vector<16xf32>
          %mul3A_251 = arith.mulf %sub3A_248, %mul3A_250 : vector<16xf32>
          %div3A_252 = arith.divf %mul3A_251, %sub3A_22 : vector<16xf32>
          %convert_element_type3A_253 = arith.fptosi %div3A_252 : vector<16xf32> to vector<16xi32>
          %sub3A_254 = arith.constant 511 : i32
          %sub3A_255 = vector.broadcast %sub3A_254 : i32 to vector<16xi32>
          %sub3A_256 = arith.subi %sub3A_255, %convert_element_type3A_253 : vector<16xi32>
          %mul3A_257 = arith.constant 512 : i32
          %mul3A_258 = vector.broadcast %mul3A_257 : i32 to vector<16xi32>
          %mul3A_259 = arith.muli %sub3A_256, %mul3A_258 : vector<16xi32>
          %add3A_260 = arith.addi %mul3A_259, %convert_element_type3A_247 : vector<16xi32>
          %max3A_261 = arith.constant 0 : i32
          %max3A_262 = vector.broadcast %max3A_261 : i32 to vector<16xi32>
          %max3A_263 = arith.maxsi %add3A_260, %max3A_262 : vector<16xi32>
          %min3A_264 = arith.constant 262143 : i32
          %min3A_265 = vector.broadcast %min3A_264 : i32 to vector<16xi32>
          %min3A_266 = arith.minsi %max3A_263, %min3A_265 : vector<16xi32>
          %sub3A_267 = arith.subf %get3A_241, %get3A_15 : vector<16xf32>
          %mul3A_268 = arith.constant 2.550000e+02 : f32
          %mul3A_269 = vector.broadcast %mul3A_268 : f32 to vector<16xf32>
          %mul3A_270 = arith.mulf %sub3A_267, %mul3A_269 : vector<16xf32>
          %div3A_271 = arith.divf %mul3A_270, %sub3A_23 : vector<16xf32>
          %add3A_272 = arith.constant 32 : i32
          %add3A_273 = arith.addi %mul3A_128, %add3A_272 : i32
          %swap3A_274 = arith.index_cast %add3A_273 : i32 to index
          %swap3A_275 = tpu.vector_load %arg8[%swap3A_274] {strides = array<i32>} : memref<3200xi32, #tpu.memory_space<vmem>>, vector<16xi32>,
          tpu.vector_store %arg8[%swap3A_274], %min3A_266 {strides = array<i32>} : memref<3200xi32, #tpu.memory_space<vmem>>, vector<16xi32>,
          %swap3A_276 = arith.index_cast %add3A_273 : i32 to index
          %swap3A_277 = tpu.vector_load %arg9[%swap3A_276] {strides = array<i32>} : memref<3200xf32, #tpu.memory_space<vmem>>, vector<16xf32>,
          tpu.vector_store %arg9[%swap3A_276], %div3A_271 {strides = array<i32>} : memref<3200xf32, #tpu.memory_space<vmem>>, vector<16xf32>,
          %get3A_278 = arith.constant 0 : i32
          %get3A_279 = arith.index_cast %scan3A_125 : i32 to index
          %get3A_280 = arith.index_cast %get3A_278 : i32 to index
          %get3A_281 = arith.constant 48 : index
          %get3A_282 = tpu.vector_load %arg5[%get3A_279, %get3A_280, %get3A_281] {strides = array<i32>} : memref<25x8x128xf32, #tpu.memory_space<vmem>>, vector<16xf32>,
          %get3A_283 = arith.constant 1 : i32
          %get3A_284 = arith.index_cast %scan3A_125 : i32 to index
          %get3A_285 = arith.index_cast %get3A_283 : i32 to index
          %get3A_286 = arith.constant 48 : index
          %get3A_287 = tpu.vector_load %arg5[%get3A_284, %get3A_285, %get3A_286] {strides = array<i32>} : memref<25x8x128xf32, #tpu.memory_space<vmem>>, vector<16xf32>,
          %get3A_288 = arith.constant 2 : i32
          %get3A_289 = arith.index_cast %scan3A_125 : i32 to index
          %get3A_290 = arith.index_cast %get3A_288 : i32 to index
          %get3A_291 = arith.constant 48 : index
          %get3A_292 = tpu.vector_load %arg5[%get3A_289, %get3A_290, %get3A_291] {strides = array<i32>} : memref<25x8x128xf32, #tpu.memory_space<vmem>>, vector<16xf32>,
          %sub3A_293 = arith.subf %get3A_282, %get3A_11 : vector<16xf32>
          %mul3A_294 = arith.constant 5.110000e+02 : f32
          %mul3A_295 = vector.broadcast %mul3A_294 : f32 to vector<16xf32>
          %mul3A_296 = arith.mulf %sub3A_293, %mul3A_295 : vector<16xf32>
          %div3A_297 = arith.divf %mul3A_296, %sub3A : vector<16xf32>
          %convert_element_type3A_298 = arith.fptosi %div3A_297 : vector<16xf32> to vector<16xi32>
          %sub3A_299 = arith.subf %get3A_287, %get3A_13 : vector<16xf32>
          %mul3A_300 = arith.constant 5.110000e+02 : f32
          %mul3A_301 = vector.broadcast %mul3A_300 : f32 to vector<16xf32>
          %mul3A_302 = arith.mulf %sub3A_299, %mul3A_301 : vector<16xf32>
          %div3A_303 = arith.divf %mul3A_302, %sub3A_22 : vector<16xf32>
          %convert_element_type3A_304 = arith.fptosi %div3A_303 : vector<16xf32> to vector<16xi32>
          %sub3A_305 = arith.constant 511 : i32
          %sub3A_306 = vector.broadcast %sub3A_305 : i32 to vector<16xi32>
          %sub3A_307 = arith.subi %sub3A_306, %convert_element_type3A_304 : vector<16xi32>
          %mul3A_308 = arith.constant 512 : i32
          %mul3A_309 = vector.broadcast %mul3A_308 : i32 to vector<16xi32>
          %mul3A_310 = arith.muli %sub3A_307, %mul3A_309 : vector<16xi32>
          %add3A_311 = arith.addi %mul3A_310, %convert_element_type3A_298 : vector<16xi32>
          %max3A_312 = arith.constant 0 : i32
          %max3A_313 = vector.broadcast %max3A_312 : i32 to vector<16xi32>
          %max3A_314 = arith.maxsi %add3A_311, %max3A_313 : vector<16xi32>
          %min3A_315 = arith.constant 262143 : i32
          %min3A_316 = vector.broadcast %min3A_315 : i32 to vector<16xi32>
          %min3A_317 = arith.minsi %max3A_314, %min3A_316 : vector<16xi32>
          %sub3A_318 = arith.subf %get3A_292, %get3A_15 : vector<16xf32>
          %mul3A_319 = arith.constant 2.550000e+02 : f32
          %mul3A_320 = vector.broadcast %mul3A_319 : f32 to vector<16xf32>
          %mul3A_321 = arith.mulf %sub3A_318, %mul3A_320 : vector<16xf32>
          %div3A_322 = arith.divf %mul3A_321, %sub3A_23 : vector<16xf32>
          %add3A_323 = arith.constant 48 : i32
          %add3A_324 = arith.addi %mul3A_128, %add3A_323 : i32
          %swap3A_325 = arith.index_cast %add3A_324 : i32 to index
          %swap3A_326 = tpu.vector_load %arg8[%swap3A_325] {strides = array<i32>} : memref<3200xi32, #tpu.memory_space<vmem>>, vector<16xi32>,
          tpu.vector_store %arg8[%swap3A_325], %min3A_317 {strides = array<i32>} : memref<3200xi32, #tpu.memory_space<vmem>>, vector<16xi32>,
          %swap3A_327 = arith.index_cast %add3A_324 : i32 to index
          %swap3A_328 = tpu.vector_load %arg9[%swap3A_327] {strides = array<i32>} : memref<3200xf32, #tpu.memory_space<vmem>>, vector<16xf32>,
          tpu.vector_store %arg9[%swap3A_327], %div3A_322 {strides = array<i32>} : memref<3200xf32, #tpu.memory_space<vmem>>, vector<16xf32>,
          %get3A_329 = arith.constant 0 : i32
          %get3A_330 = arith.index_cast %scan3A_125 : i32 to index
          %get3A_331 = arith.index_cast %get3A_329 : i32 to index
          %get3A_332 = arith.constant 64 : index
          %get3A_333 = tpu.vector_load %arg5[%get3A_330, %get3A_331, %get3A_332] {strides = array<i32>} : memref<25x8x128xf32, #tpu.memory_space<vmem>>, vector<16xf32>,
          %get3A_334 = arith.constant 1 : i32
          %get3A_335 = arith.index_cast %scan3A_125 : i32 to index
          %get3A_336 = arith.index_cast %get3A_334 : i32 to index
          %get3A_337 = arith.constant 64 : index
          %get3A_338 = tpu.vector_load %arg5[%get3A_335, %get3A_336, %get3A_337] {strides = array<i32>} : memref<25x8x128xf32, #tpu.memory_space<vmem>>, vector<16xf32>,
          %get3A_339 = arith.constant 2 : i32
          %get3A_340 = arith.index_cast %scan3A_125 : i32 to index
          %get3A_341 = arith.index_cast %get3A_339 : i32 to index
          %get3A_342 = arith.constant 64 : index
          %get3A_343 = tpu.vector_load %arg5[%get3A_340, %get3A_341, %get3A_342] {strides = array<i32>} : memref<25x8x128xf32, #tpu.memory_space<vmem>>, vector<16xf32>,
          %sub3A_344 = arith.subf %get3A_333, %get3A_11 : vector<16xf32>
          %mul3A_345 = arith.constant 5.110000e+02 : f32
          %mul3A_346 = vector.broadcast %mul3A_345 : f32 to vector<16xf32>
          %mul3A_347 = arith.mulf %sub3A_344, %mul3A_346 : vector<16xf32>
          %div3A_348 = arith.divf %mul3A_347, %sub3A : vector<16xf32>
          %convert_element_type3A_349 = arith.fptosi %div3A_348 : vector<16xf32> to vector<16xi32>
          %sub3A_350 = arith.subf %get3A_338, %get3A_13 : vector<16xf32>
          %mul3A_351 = arith.constant 5.110000e+02 : f32
          %mul3A_352 = vector.broadcast %mul3A_351 : f32 to vector<16xf32>
          %mul3A_353 = arith.mulf %sub3A_350, %mul3A_352 : vector<16xf32>
          %div3A_354 = arith.divf %mul3A_353, %sub3A_22 : vector<16xf32>
          %convert_element_type3A_355 = arith.fptosi %div3A_354 : vector<16xf32> to vector<16xi32>
          %sub3A_356 = arith.constant 511 : i32
          %sub3A_357 = vector.broadcast %sub3A_356 : i32 to vector<16xi32>
          %sub3A_358 = arith.subi %sub3A_357, %convert_element_type3A_355 : vector<16xi32>
          %mul3A_359 = arith.constant 512 : i32
          %mul3A_360 = vector.broadcast %mul3A_359 : i32 to vector<16xi32>
          %mul3A_361 = arith.muli %sub3A_358, %mul3A_360 : vector<16xi32>
          %add3A_362 = arith.addi %mul3A_361, %convert_element_type3A_349 : vector<16xi32>
          %max3A_363 = arith.constant 0 : i32
          %max3A_364 = vector.broadcast %max3A_363 : i32 to vector<16xi32>
          %max3A_365 = arith.maxsi %add3A_362, %max3A_364 : vector<16xi32>
          %min3A_366 = arith.constant 262143 : i32
          %min3A_367 = vector.broadcast %min3A_366 : i32 to vector<16xi32>
          %min3A_368 = arith.minsi %max3A_365, %min3A_367 : vector<16xi32>
          %sub3A_369 = arith.subf %get3A_343, %get3A_15 : vector<16xf32>
          %mul3A_370 = arith.constant 2.550000e+02 : f32
          %mul3A_371 = vector.broadcast %mul3A_370 : f32 to vector<16xf32>
          %mul3A_372 = arith.mulf %sub3A_369, %mul3A_371 : vector<16xf32>
          %div3A_373 = arith.divf %mul3A_372, %sub3A_23 : vector<16xf32>
          %add3A_374 = arith.constant 64 : i32
          %add3A_375 = arith.addi %mul3A_128, %add3A_374 : i32
          %swap3A_376 = arith.index_cast %add3A_375 : i32 to index
          %swap3A_377 = tpu.vector_load %arg8[%swap3A_376] {strides = array<i32>} : memref<3200xi32, #tpu.memory_space<vmem>>, vector<16xi32>,
          tpu.vector_store %arg8[%swap3A_376], %min3A_368 {strides = array<i32>} : memref<3200xi32, #tpu.memory_space<vmem>>, vector<16xi32>,
          %swap3A_378 = arith.index_cast %add3A_375 : i32 to index
          %swap3A_379 = tpu.vector_load %arg9[%swap3A_378] {strides = array<i32>} : memref<3200xf32, #tpu.memory_space<vmem>>, vector<16xf32>,
          tpu.vector_store %arg9[%swap3A_378], %div3A_373 {strides = array<i32>} : memref<3200xf32, #tpu.memory_space<vmem>>, vector<16xf32>,
          %get3A_380 = arith.constant 0 : i32
          %get3A_381 = arith.index_cast %scan3A_125 : i32 to index
          %get3A_382 = arith.index_cast %get3A_380 : i32 to index
          %get3A_383 = arith.constant 80 : index
          %get3A_384 = tpu.vector_load %arg5[%get3A_381, %get3A_382, %get3A_383] {strides = array<i32>} : memref<25x8x128xf32, #tpu.memory_space<vmem>>, vector<16xf32>,
          %get3A_385 = arith.constant 1 : i32
          %get3A_386 = arith.index_cast %scan3A_125 : i32 to index
          %get3A_387 = arith.index_cast %get3A_385 : i32 to index
          %get3A_388 = arith.constant 80 : index
          %get3A_389 = tpu.vector_load %arg5[%get3A_386, %get3A_387, %get3A_388] {strides = array<i32>} : memref<25x8x128xf32, #tpu.memory_space<vmem>>, vector<16xf32>,
          %get3A_390 = arith.constant 2 : i32
          %get3A_391 = arith.index_cast %scan3A_125 : i32 to index
          %get3A_392 = arith.index_cast %get3A_390 : i32 to index
          %get3A_393 = arith.constant 80 : index
          %get3A_394 = tpu.vector_load %arg5[%get3A_391, %get3A_392, %get3A_393] {strides = array<i32>} : memref<25x8x128xf32, #tpu.memory_space<vmem>>, vector<16xf32>,
          %sub3A_395 = arith.subf %get3A_384, %get3A_11 : vector<16xf32>
          %mul3A_396 = arith.constant 5.110000e+02 : f32
          %mul3A_397 = vector.broadcast %mul3A_396 : f32 to vector<16xf32>
          %mul3A_398 = arith.mulf %sub3A_395, %mul3A_397 : vector<16xf32>
          %div3A_399 = arith.divf %mul3A_398, %sub3A : vector<16xf32>
          %convert_element_type3A_400 = arith.fptosi %div3A_399 : vector<16xf32> to vector<16xi32>
          %sub3A_401 = arith.subf %get3A_389, %get3A_13 : vector<16xf32>
          %mul3A_402 = arith.constant 5.110000e+02 : f32
          %mul3A_403 = vector.broadcast %mul3A_402 : f32 to vector<16xf32>
          %mul3A_404 = arith.mulf %sub3A_401, %mul3A_403 : vector<16xf32>
          %div3A_405 = arith.divf %mul3A_404, %sub3A_22 : vector<16xf32>
          %convert_element_type3A_406 = arith.fptosi %div3A_405 : vector<16xf32> to vector<16xi32>
          %sub3A_407 = arith.constant 511 : i32
          %sub3A_408 = vector.broadcast %sub3A_407 : i32 to vector<16xi32>
          %sub3A_409 = arith.subi %sub3A_408, %convert_element_type3A_406 : vector<16xi32>
          %mul3A_410 = arith.constant 512 : i32
          %mul3A_411 = vector.broadcast %mul3A_410 : i32 to vector<16xi32>
          %mul3A_412 = arith.muli %sub3A_409, %mul3A_411 : vector<16xi32>
          %add3A_413 = arith.addi %mul3A_412, %convert_element_type3A_400 : vector<16xi32>
          %max3A_414 = arith.constant 0 : i32
          %max3A_415 = vector.broadcast %max3A_414 : i32 to vector<16xi32>
          %max3A_416 = arith.maxsi %add3A_413, %max3A_415 : vector<16xi32>
          %min3A_417 = arith.constant 262143 : i32
          %min3A_418 = vector.broadcast %min3A_417 : i32 to vector<16xi32>
          %min3A_419 = arith.minsi %max3A_416, %min3A_418 : vector<16xi32>
          %sub3A_420 = arith.subf %get3A_394, %get3A_15 : vector<16xf32>
          %mul3A_421 = arith.constant 2.550000e+02 : f32
          %mul3A_422 = vector.broadcast %mul3A_421 : f32 to vector<16xf32>
          %mul3A_423 = arith.mulf %sub3A_420, %mul3A_422 : vector<16xf32>
          %div3A_424 = arith.divf %mul3A_423, %sub3A_23 : vector<16xf32>
          %add3A_425 = arith.constant 80 : i32
          %add3A_426 = arith.addi %mul3A_128, %add3A_425 : i32
          %swap3A_427 = arith.index_cast %add3A_426 : i32 to index
          %swap3A_428 = tpu.vector_load %arg8[%swap3A_427] {strides = array<i32>} : memref<3200xi32, #tpu.memory_space<vmem>>, vector<16xi32>,
          tpu.vector_store %arg8[%swap3A_427], %min3A_419 {strides = array<i32>} : memref<3200xi32, #tpu.memory_space<vmem>>, vector<16xi32>,
          %swap3A_429 = arith.index_cast %add3A_426 : i32 to index
          %swap3A_430 = tpu.vector_load %arg9[%swap3A_429] {strides = array<i32>} : memref<3200xf32, #tpu.memory_space<vmem>>, vector<16xf32>,
          tpu.vector_store %arg9[%swap3A_429], %div3A_424 {strides = array<i32>} : memref<3200xf32, #tpu.memory_space<vmem>>, vector<16xf32>,
          %get3A_431 = arith.constant 0 : i32
          %get3A_432 = arith.index_cast %scan3A_125 : i32 to index
          %get3A_433 = arith.index_cast %get3A_431 : i32 to index
          %get3A_434 = arith.constant 96 : index
          %get3A_435 = tpu.vector_load %arg5[%get3A_432, %get3A_433, %get3A_434] {strides = array<i32>} : memref<25x8x128xf32, #tpu.memory_space<vmem>>, vector<16xf32>,
          %get3A_436 = arith.constant 1 : i32
          %get3A_437 = arith.index_cast %scan3A_125 : i32 to index
          %get3A_438 = arith.index_cast %get3A_436 : i32 to index
          %get3A_439 = arith.constant 96 : index
          %get3A_440 = tpu.vector_load %arg5[%get3A_437, %get3A_438, %get3A_439] {strides = array<i32>} : memref<25x8x128xf32, #tpu.memory_space<vmem>>, vector<16xf32>,
          %get3A_441 = arith.constant 2 : i32
          %get3A_442 = arith.index_cast %scan3A_125 : i32 to index
          %get3A_443 = arith.index_cast %get3A_441 : i32 to index
          %get3A_444 = arith.constant 96 : index
          %get3A_445 = tpu.vector_load %arg5[%get3A_442, %get3A_443, %get3A_444] {strides = array<i32>} : memref<25x8x128xf32, #tpu.memory_space<vmem>>, vector<16xf32>,
          %sub3A_446 = arith.subf %get3A_435, %get3A_11 : vector<16xf32>
          %mul3A_447 = arith.constant 5.110000e+02 : f32
          %mul3A_448 = vector.broadcast %mul3A_447 : f32 to vector<16xf32>
          %mul3A_449 = arith.mulf %sub3A_446, %mul3A_448 : vector<16xf32>
          %div3A_450 = arith.divf %mul3A_449, %sub3A : vector<16xf32>
          %convert_element_type3A_451 = arith.fptosi %div3A_450 : vector<16xf32> to vector<16xi32>
          %sub3A_452 = arith.subf %get3A_440, %get3A_13 : vector<16xf32>
          %mul3A_453 = arith.constant 5.110000e+02 : f32
          %mul3A_454 = vector.broadcast %mul3A_453 : f32 to vector<16xf32>
          %mul3A_455 = arith.mulf %sub3A_452, %mul3A_454 : vector<16xf32>
          %div3A_456 = arith.divf %mul3A_455, %sub3A_22 : vector<16xf32>
          %convert_element_type3A_457 = arith.fptosi %div3A_456 : vector<16xf32> to vector<16xi32>
          %sub3A_458 = arith.constant 511 : i32
          %sub3A_459 = vector.broadcast %sub3A_458 : i32 to vector<16xi32>
          %sub3A_460 = arith.subi %sub3A_459, %convert_element_type3A_457 : vector<16xi32>
          %mul3A_461 = arith.constant 512 : i32
          %mul3A_462 = vector.broadcast %mul3A_461 : i32 to vector<16xi32>
          %mul3A_463 = arith.muli %sub3A_460, %mul3A_462 : vector<16xi32>
          %add3A_464 = arith.addi %mul3A_463, %convert_element_type3A_451 : vector<16xi32>
          %max3A_465 = arith.constant 0 : i32
          %max3A_466 = vector.broadcast %max3A_465 : i32 to vector<16xi32>
          %max3A_467 = arith.maxsi %add3A_464, %max3A_466 : vector<16xi32>
          %min3A_468 = arith.constant 262143 : i32
          %min3A_469 = vector.broadcast %min3A_468 : i32 to vector<16xi32>
          %min3A_470 = arith.minsi %max3A_467, %min3A_469 : vector<16xi32>
          %sub3A_471 = arith.subf %get3A_445, %get3A_15 : vector<16xf32>
          %mul3A_472 = arith.constant 2.550000e+02 : f32
          %mul3A_473 = vector.broadcast %mul3A_472 : f32 to vector<16xf32>
          %mul3A_474 = arith.mulf %sub3A_471, %mul3A_473 : vector<16xf32>
          %div3A_475 = arith.divf %mul3A_474, %sub3A_23 : vector<16xf32>
          %add3A_476 = arith.constant 96 : i32
          %add3A_477 = arith.addi %mul3A_128, %add3A_476 : i32
          %swap3A_478 = arith.index_cast %add3A_477 : i32 to index
          %swap3A_479 = tpu.vector_load %arg8[%swap3A_478] {strides = array<i32>} : memref<3200xi32, #tpu.memory_space<vmem>>, vector<16xi32>,
          tpu.vector_store %arg8[%swap3A_478], %min3A_470 {strides = array<i32>} : memref<3200xi32, #tpu.memory_space<vmem>>, vector<16xi32>,
          %swap3A_480 = arith.index_cast %add3A_477 : i32 to index
          %swap3A_481 = tpu.vector_load %arg9[%swap3A_480] {strides = array<i32>} : memref<3200xf32, #tpu.memory_space<vmem>>, vector<16xf32>,
          tpu.vector_store %arg9[%swap3A_480], %div3A_475 {strides = array<i32>} : memref<3200xf32, #tpu.memory_space<vmem>>, vector<16xf32>,
          %get3A_482 = arith.constant 0 : i32
          %get3A_483 = arith.index_cast %scan3A_125 : i32 to index
          %get3A_484 = arith.index_cast %get3A_482 : i32 to index
          %get3A_485 = arith.constant 112 : index
          %get3A_486 = tpu.vector_load %arg5[%get3A_483, %get3A_484, %get3A_485] {strides = array<i32>} : memref<25x8x128xf32, #tpu.memory_space<vmem>>, vector<16xf32>,
          %get3A_487 = arith.constant 1 : i32
          %get3A_488 = arith.index_cast %scan3A_125 : i32 to index
          %get3A_489 = arith.index_cast %get3A_487 : i32 to index
          %get3A_490 = arith.constant 112 : index
          %get3A_491 = tpu.vector_load %arg5[%get3A_488, %get3A_489, %get3A_490] {strides = array<i32>} : memref<25x8x128xf32, #tpu.memory_space<vmem>>, vector<16xf32>,
          %get3A_492 = arith.constant 2 : i32
          %get3A_493 = arith.index_cast %scan3A_125 : i32 to index
          %get3A_494 = arith.index_cast %get3A_492 : i32 to index
          %get3A_495 = arith.constant 112 : index
          %get3A_496 = tpu.vector_load %arg5[%get3A_493, %get3A_494, %get3A_495] {strides = array<i32>} : memref<25x8x128xf32, #tpu.memory_space<vmem>>, vector<16xf32>,
          %sub3A_497 = arith.subf %get3A_486, %get3A_11 : vector<16xf32>
          %mul3A_498 = arith.constant 5.110000e+02 : f32
          %mul3A_499 = vector.broadcast %mul3A_498 : f32 to vector<16xf32>
          %mul3A_500 = arith.mulf %sub3A_497, %mul3A_499 : vector<16xf32>
          %div3A_501 = arith.divf %mul3A_500, %sub3A : vector<16xf32>
          %convert_element_type3A_502 = arith.fptosi %div3A_501 : vector<16xf32> to vector<16xi32>
          %sub3A_503 = arith.subf %get3A_491, %get3A_13 : vector<16xf32>
          %mul3A_504 = arith.constant 5.110000e+02 : f32
          %mul3A_505 = vector.broadcast %mul3A_504 : f32 to vector<16xf32>
          %mul3A_506 = arith.mulf %sub3A_503, %mul3A_505 : vector<16xf32>
          %div3A_507 = arith.divf %mul3A_506, %sub3A_22 : vector<16xf32>
          %convert_element_type3A_508 = arith.fptosi %div3A_507 : vector<16xf32> to vector<16xi32>
          %sub3A_509 = arith.constant 511 : i32
          %sub3A_510 = vector.broadcast %sub3A_509 : i32 to vector<16xi32>
          %sub3A_511 = arith.subi %sub3A_510, %convert_element_type3A_508 : vector<16xi32>
          %mul3A_512 = arith.constant 512 : i32
          %mul3A_513 = vector.broadcast %mul3A_512 : i32 to vector<16xi32>
          %mul3A_514 = arith.muli %sub3A_511, %mul3A_513 : vector<16xi32>
          %add3A_515 = arith.addi %mul3A_514, %convert_element_type3A_502 : vector<16xi32>
          %max3A_516 = arith.constant 0 : i32
          %max3A_517 = vector.broadcast %max3A_516 : i32 to vector<16xi32>
          %max3A_518 = arith.maxsi %add3A_515, %max3A_517 : vector<16xi32>
          %min3A_519 = arith.constant 262143 : i32
          %min3A_520 = vector.broadcast %min3A_519 : i32 to vector<16xi32>
          %min3A_521 = arith.minsi %max3A_518, %min3A_520 : vector<16xi32>
          %sub3A_522 = arith.subf %get3A_496, %get3A_15 : vector<16xf32>
          %mul3A_523 = arith.constant 2.550000e+02 : f32
          %mul3A_524 = vector.broadcast %mul3A_523 : f32 to vector<16xf32>
          %mul3A_525 = arith.mulf %sub3A_522, %mul3A_524 : vector<16xf32>
          %div3A_526 = arith.divf %mul3A_525, %sub3A_23 : vector<16xf32>
          %add3A_527 = arith.constant 112 : i32
          %add3A_528 = arith.addi %mul3A_128, %add3A_527 : i32
          %swap3A_529 = arith.index_cast %add3A_528 : i32 to index
          %swap3A_530 = tpu.vector_load %arg8[%swap3A_529] {strides = array<i32>} : memref<3200xi32, #tpu.memory_space<vmem>>, vector<16xi32>,
          tpu.vector_store %arg8[%swap3A_529], %min3A_521 {strides = array<i32>} : memref<3200xi32, #tpu.memory_space<vmem>>, vector<16xi32>,
          %swap3A_531 = arith.index_cast %add3A_528 : i32 to index
          %swap3A_532 = tpu.vector_load %arg9[%swap3A_531] {strides = array<i32>} : memref<3200xf32, #tpu.memory_space<vmem>>, vector<16xf32>,
          tpu.vector_store %arg9[%swap3A_531], %div3A_526 {strides = array<i32>} : memref<3200xf32, #tpu.memory_space<vmem>>, vector<16xf32>,
          %scan3A_533 = arith.constant 0 : i32
          scf.yield %scan3A_533 : i32
        }
        %scan3A_121 = arith.constant 25 : i32
        %dma_start3A = arith.constant 0 : i32
        %dma_start3A_122 = tpu.memref_slice %arg14[%dma_start3A] : memref<262144xf32, #tpu.memory_space<vmem_shared>> -> memref<262144xf32, #tpu.memory_space<vmem_shared>>
        tpu.enqueue_indirect_dma source(%arg9 : memref<3200xf32, #tpu.memory_space<vmem>>) target(%dma_start3A_122 : memref<262144xf32, #tpu.memory_space<vmem_shared>>) offsets(%arg8 : memref<3200xi32, #tpu.memory_space<vmem>>) semaphore(%arg16 : memref<!tpu.dma_semaphore, #tpu.memory_space<semaphore_mem>>) {add = true}
        %dma_start3A_123 = arith.constant 0 : i32
        %dma_start3A_124 = tpu.memref_slice %arg15[%dma_start3A_123] : memref<262144xf32, #tpu.memory_space<vmem_shared>> -> memref<262144xf32, #tpu.memory_space<vmem_shared>>
        tpu.enqueue_indirect_dma source(%arg12 : memref<3200xf32, #tpu.memory_space<vmem>>) target(%dma_start3A_124 : memref<262144xf32, #tpu.memory_space<vmem_shared>>) offsets(%arg8 : memref<3200xi32, #tpu.memory_space<vmem>>) semaphore(%arg16 : memref<!tpu.dma_semaphore, #tpu.memory_space<semaphore_mem>>) {add = true}
      } else {
      }
      %lt3A_97 = arith.constant 625 : i32
      %lt3A_98 = arith.cmpi slt, %add3A_84, %lt3A_97 : i32
      %convert_element_type3A_99 = arith.extui %lt3A_98 : i1 to i32
      %cond3A_100 = arith.constant 0 : i32
      %cond3A_101 = arith.cmpi ne, %convert_element_type3A_99, %cond3A_100 : i32
      scf.if %cond3A_101 {
        %mul3A_103 = arith.constant 25 : i32
        %mul3A_104 = arith.muli %add3A_84, %mul3A_103 : i32
        %dma_wait3A_105 = arith.constant 0 : i32
        %dma_wait3A_106 = arith.constant 0 : i32
        %dma_wait3A_107 = tpu.memref_slice %arg2[%mul3A_104, %dma_wait3A_105, %dma_wait3A_106] : memref<15680x8x128xf32, #tpu.memory_space<hbm>> -> memref<25x8x128xf32, #tpu.memory_space<hbm>>
        %dma_wait3A_108 = arith.constant 0 : i32
        %dma_wait3A_109 = arith.constant 0 : i32
        %dma_wait3A_110 = tpu.memref_slice %arg2[%mul3A_104, %dma_wait3A_108, %dma_wait3A_109] : memref<15680x8x128xf32, #tpu.memory_space<hbm>> -> memref<25x8x128xf32, #tpu.memory_space<hbm>>
        tpu.wait_dma2 semaphore(%arg19 : memref<!tpu.dma_semaphore, #tpu.memory_space<semaphore_mem>>) src(%dma_wait3A_110 : memref<25x8x128xf32, #tpu.memory_space<hbm>>) dst(%arg6 : memref<25x8x128xf32, #tpu.memory_space<vmem>>)
        %gt3A = arith.constant 0 : i32
        %gt3A_111 = arith.cmpi sgt, %scan3A_76, %gt3A : i32
        %convert_element_type3A_112 = arith.extui %gt3A_111 : i1 to i32
        %cond3A_113 = arith.constant 0 : i32
        %cond3A_114 = arith.cmpi ne, %convert_element_type3A_112, %cond3A_113 : i32
        scf.if %cond3A_114 {
          %dma_wait3A_125 = arith.constant 0 : i32
          %dma_wait3A_126 = tpu.memref_slice %arg4[%arg0, %scan3A_31, %dma_wait3A_125] : memref<2x2x262144xf32, #tpu.memory_space<hbm>> -> memref<1x1x3200xf32, #tpu.memory_space<hbm>>
          %dma_wait3A_127 = tpu.memref_squeeze %dma_wait3A_126 : memref<1x1x3200xf32, #tpu.memory_space<hbm>> -> memref<3200xf32, #tpu.memory_space<hbm>>
          %dma_wait3A_128 = arith.constant 0 : i32
          %dma_wait3A_129 = tpu.memref_slice %arg4[%arg0, %scan3A_31, %dma_wait3A_128] : memref<2x2x262144xf32, #tpu.memory_space<hbm>> -> memref<1x1x3200xf32, #tpu.memory_space<hbm>>
          %dma_wait3A_130 = tpu.memref_squeeze %dma_wait3A_129 : memref<1x1x3200xf32, #tpu.memory_space<hbm>> -> memref<3200xf32, #tpu.memory_space<hbm>>
          tpu.wait_dma2 semaphore(%arg17 : memref<!tpu.dma_semaphore, #tpu.memory_space<semaphore_mem>>) src(%dma_wait3A_130 : memref<3200xf32, #tpu.memory_space<hbm>>) dst(%arg11 : memref<3200xf32, #tpu.memory_space<vmem>>)
          %dma_wait3A_131 = arith.constant 0 : i32
          %dma_wait3A_132 = tpu.memref_slice %arg4[%arg0, %scan3A_31, %dma_wait3A_131] : memref<2x2x262144xf32, #tpu.memory_space<hbm>> -> memref<1x1x3200xf32, #tpu.memory_space<hbm>>
          %dma_wait3A_133 = tpu.memref_squeeze %dma_wait3A_132 : memref<1x1x3200xf32, #tpu.memory_space<hbm>> -> memref<3200xf32, #tpu.memory_space<hbm>>
          %dma_wait3A_134 = arith.constant 0 : i32
          %dma_wait3A_135 = tpu.memref_slice %arg4[%arg0, %scan3A_31, %dma_wait3A_134] : memref<2x2x262144xf32, #tpu.memory_space<hbm>> -> memref<1x1x3200xf32, #tpu.memory_space<hbm>>
          %dma_wait3A_136 = tpu.memref_squeeze %dma_wait3A_135 : memref<1x1x3200xf32, #tpu.memory_space<hbm>> -> memref<3200xf32, #tpu.memory_space<hbm>>
          tpu.wait_dma2 semaphore(%arg17 : memref<!tpu.dma_semaphore, #tpu.memory_space<semaphore_mem>>) src(%dma_wait3A_136 : memref<3200xf32, #tpu.memory_space<hbm>>) dst(%arg11 : memref<3200xf32, #tpu.memory_space<vmem>>)
        } else {
        }
        %scan3A_115 = arith.constant 0 : i32
        %scan3A_116 = arith.constant 0 : i32
        %scan3A_117 = arith.constant 25 : i32
        %scan3A_118 = arith.addi %scan3A_116, %scan3A_117 : i32
        %scan3A_119 = arith.constant 1 : i32
        %scan3A_120 = scf.for %scan3A_125 = %scan3A_116 to %scan3A_118 step %scan3A_119 iter_args(%scan3A_126 = %scan3A_115) -> (i32)  : i32 {
          %mul3A_127 = arith.constant 128 : i32
          %mul3A_128 = arith.muli %scan3A_125, %mul3A_127 : i32
          %get3A_129 = arith.constant 0 : i32
          %get3A_130 = arith.index_cast %scan3A_125 : i32 to index
          %get3A_131 = arith.index_cast %get3A_129 : i32 to index
          %get3A_132 = arith.constant 0 : index
          %get3A_133 = tpu.vector_load %arg6[%get3A_130, %get3A_131, %get3A_132] {strides = array<i32>} : memref<25x8x128xf32, #tpu.memory_space<vmem>>, vector<16xf32>,
          %get3A_134 = arith.constant 1 : i32
          %get3A_135 = arith.index_cast %scan3A_125 : i32 to index
          %get3A_136 = arith.index_cast %get3A_134 : i32 to index
          %get3A_137 = arith.constant 0 : index
          %get3A_138 = tpu.vector_load %arg6[%get3A_135, %get3A_136, %get3A_137] {strides = array<i32>} : memref<25x8x128xf32, #tpu.memory_space<vmem>>, vector<16xf32>,
          %get3A_139 = arith.constant 2 : i32
          %get3A_140 = arith.index_cast %scan3A_125 : i32 to index
          %get3A_141 = arith.index_cast %get3A_139 : i32 to index
          %get3A_142 = arith.constant 0 : index
          %get3A_143 = tpu.vector_load %arg6[%get3A_140, %get3A_141, %get3A_142] {strides = array<i32>} : memref<25x8x128xf32, #tpu.memory_space<vmem>>, vector<16xf32>,
          %sub3A_144 = arith.subf %get3A_133, %get3A_11 : vector<16xf32>
          %mul3A_145 = arith.constant 5.110000e+02 : f32
          %mul3A_146 = vector.broadcast %mul3A_145 : f32 to vector<16xf32>
          %mul3A_147 = arith.mulf %sub3A_144, %mul3A_146 : vector<16xf32>
          %div3A = arith.divf %mul3A_147, %sub3A : vector<16xf32>
          %convert_element_type3A_148 = arith.fptosi %div3A : vector<16xf32> to vector<16xi32>
          %sub3A_149 = arith.subf %get3A_138, %get3A_13 : vector<16xf32>
          %mul3A_150 = arith.constant 5.110000e+02 : f32
          %mul3A_151 = vector.broadcast %mul3A_150 : f32 to vector<16xf32>
          %mul3A_152 = arith.mulf %sub3A_149, %mul3A_151 : vector<16xf32>
          %div3A_153 = arith.divf %mul3A_152, %sub3A_22 : vector<16xf32>
          %convert_element_type3A_154 = arith.fptosi %div3A_153 : vector<16xf32> to vector<16xi32>
          %sub3A_155 = arith.constant 511 : i32
          %sub3A_156 = vector.broadcast %sub3A_155 : i32 to vector<16xi32>
          %sub3A_157 = arith.subi %sub3A_156, %convert_element_type3A_154 : vector<16xi32>
          %mul3A_158 = arith.constant 512 : i32
          %mul3A_159 = vector.broadcast %mul3A_158 : i32 to vector<16xi32>
          %mul3A_160 = arith.muli %sub3A_157, %mul3A_159 : vector<16xi32>
          %add3A_161 = arith.addi %mul3A_160, %convert_element_type3A_148 : vector<16xi32>
          %max3A = arith.constant 0 : i32
          %max3A_162 = vector.broadcast %max3A : i32 to vector<16xi32>
          %max3A_163 = arith.maxsi %add3A_161, %max3A_162 : vector<16xi32>
          %min3A = arith.constant 262143 : i32
          %min3A_164 = vector.broadcast %min3A : i32 to vector<16xi32>
          %min3A_165 = arith.minsi %max3A_163, %min3A_164 : vector<16xi32>
          %sub3A_166 = arith.subf %get3A_143, %get3A_15 : vector<16xf32>
          %mul3A_167 = arith.constant 2.550000e+02 : f32
          %mul3A_168 = vector.broadcast %mul3A_167 : f32 to vector<16xf32>
          %mul3A_169 = arith.mulf %sub3A_166, %mul3A_168 : vector<16xf32>
          %div3A_170 = arith.divf %mul3A_169, %sub3A_23 : vector<16xf32>
          %add3A_171 = arith.constant 0 : i32
          %add3A_172 = arith.addi %mul3A_128, %add3A_171 : i32
          %swap3A = arith.index_cast %add3A_172 : i32 to index
          %swap3A_173 = tpu.vector_load %arg10[%swap3A] {strides = array<i32>} : memref<3200xi32, #tpu.memory_space<vmem>>, vector<16xi32>,
          tpu.vector_store %arg10[%swap3A], %min3A_165 {strides = array<i32>} : memref<3200xi32, #tpu.memory_space<vmem>>, vector<16xi32>,
          %swap3A_174 = arith.index_cast %add3A_172 : i32 to index
          %swap3A_175 = tpu.vector_load %arg11[%swap3A_174] {strides = array<i32>} : memref<3200xf32, #tpu.memory_space<vmem>>, vector<16xf32>,
          tpu.vector_store %arg11[%swap3A_174], %div3A_170 {strides = array<i32>} : memref<3200xf32, #tpu.memory_space<vmem>>, vector<16xf32>,
          %get3A_176 = arith.constant 0 : i32
          %get3A_177 = arith.index_cast %scan3A_125 : i32 to index
          %get3A_178 = arith.index_cast %get3A_176 : i32 to index
          %get3A_179 = arith.constant 16 : index
          %get3A_180 = tpu.vector_load %arg6[%get3A_177, %get3A_178, %get3A_179] {strides = array<i32>} : memref<25x8x128xf32, #tpu.memory_space<vmem>>, vector<16xf32>,
          %get3A_181 = arith.constant 1 : i32
          %get3A_182 = arith.index_cast %scan3A_125 : i32 to index
          %get3A_183 = arith.index_cast %get3A_181 : i32 to index
          %get3A_184 = arith.constant 16 : index
          %get3A_185 = tpu.vector_load %arg6[%get3A_182, %get3A_183, %get3A_184] {strides = array<i32>} : memref<25x8x128xf32, #tpu.memory_space<vmem>>, vector<16xf32>,
          %get3A_186 = arith.constant 2 : i32
          %get3A_187 = arith.index_cast %scan3A_125 : i32 to index
          %get3A_188 = arith.index_cast %get3A_186 : i32 to index
          %get3A_189 = arith.constant 16 : index
          %get3A_190 = tpu.vector_load %arg6[%get3A_187, %get3A_188, %get3A_189] {strides = array<i32>} : memref<25x8x128xf32, #tpu.memory_space<vmem>>, vector<16xf32>,
          %sub3A_191 = arith.subf %get3A_180, %get3A_11 : vector<16xf32>
          %mul3A_192 = arith.constant 5.110000e+02 : f32
          %mul3A_193 = vector.broadcast %mul3A_192 : f32 to vector<16xf32>
          %mul3A_194 = arith.mulf %sub3A_191, %mul3A_193 : vector<16xf32>
          %div3A_195 = arith.divf %mul3A_194, %sub3A : vector<16xf32>
          %convert_element_type3A_196 = arith.fptosi %div3A_195 : vector<16xf32> to vector<16xi32>
          %sub3A_197 = arith.subf %get3A_185, %get3A_13 : vector<16xf32>
          %mul3A_198 = arith.constant 5.110000e+02 : f32
          %mul3A_199 = vector.broadcast %mul3A_198 : f32 to vector<16xf32>
          %mul3A_200 = arith.mulf %sub3A_197, %mul3A_199 : vector<16xf32>
          %div3A_201 = arith.divf %mul3A_200, %sub3A_22 : vector<16xf32>
          %convert_element_type3A_202 = arith.fptosi %div3A_201 : vector<16xf32> to vector<16xi32>
          %sub3A_203 = arith.constant 511 : i32
          %sub3A_204 = vector.broadcast %sub3A_203 : i32 to vector<16xi32>
          %sub3A_205 = arith.subi %sub3A_204, %convert_element_type3A_202 : vector<16xi32>
          %mul3A_206 = arith.constant 512 : i32
          %mul3A_207 = vector.broadcast %mul3A_206 : i32 to vector<16xi32>
          %mul3A_208 = arith.muli %sub3A_205, %mul3A_207 : vector<16xi32>
          %add3A_209 = arith.addi %mul3A_208, %convert_element_type3A_196 : vector<16xi32>
          %max3A_210 = arith.constant 0 : i32
          %max3A_211 = vector.broadcast %max3A_210 : i32 to vector<16xi32>
          %max3A_212 = arith.maxsi %add3A_209, %max3A_211 : vector<16xi32>
          %min3A_213 = arith.constant 262143 : i32
          %min3A_214 = vector.broadcast %min3A_213 : i32 to vector<16xi32>
          %min3A_215 = arith.minsi %max3A_212, %min3A_214 : vector<16xi32>
          %sub3A_216 = arith.subf %get3A_190, %get3A_15 : vector<16xf32>
          %mul3A_217 = arith.constant 2.550000e+02 : f32
          %mul3A_218 = vector.broadcast %mul3A_217 : f32 to vector<16xf32>
          %mul3A_219 = arith.mulf %sub3A_216, %mul3A_218 : vector<16xf32>
          %div3A_220 = arith.divf %mul3A_219, %sub3A_23 : vector<16xf32>
          %add3A_221 = arith.constant 16 : i32
          %add3A_222 = arith.addi %mul3A_128, %add3A_221 : i32
          %swap3A_223 = arith.index_cast %add3A_222 : i32 to index
          %swap3A_224 = tpu.vector_load %arg10[%swap3A_223] {strides = array<i32>} : memref<3200xi32, #tpu.memory_space<vmem>>, vector<16xi32>,
          tpu.vector_store %arg10[%swap3A_223], %min3A_215 {strides = array<i32>} : memref<3200xi32, #tpu.memory_space<vmem>>, vector<16xi32>,
          %swap3A_225 = arith.index_cast %add3A_222 : i32 to index
          %swap3A_226 = tpu.vector_load %arg11[%swap3A_225] {strides = array<i32>} : memref<3200xf32, #tpu.memory_space<vmem>>, vector<16xf32>,
          tpu.vector_store %arg11[%swap3A_225], %div3A_220 {strides = array<i32>} : memref<3200xf32, #tpu.memory_space<vmem>>, vector<16xf32>,
          %get3A_227 = arith.constant 0 : i32
          %get3A_228 = arith.index_cast %scan3A_125 : i32 to index
          %get3A_229 = arith.index_cast %get3A_227 : i32 to index
          %get3A_230 = arith.constant 32 : index
          %get3A_231 = tpu.vector_load %arg6[%get3A_228, %get3A_229, %get3A_230] {strides = array<i32>} : memref<25x8x128xf32, #tpu.memory_space<vmem>>, vector<16xf32>,
          %get3A_232 = arith.constant 1 : i32
          %get3A_233 = arith.index_cast %scan3A_125 : i32 to index
          %get3A_234 = arith.index_cast %get3A_232 : i32 to index
          %get3A_235 = arith.constant 32 : index
          %get3A_236 = tpu.vector_load %arg6[%get3A_233, %get3A_234, %get3A_235] {strides = array<i32>} : memref<25x8x128xf32, #tpu.memory_space<vmem>>, vector<16xf32>,
          %get3A_237 = arith.constant 2 : i32
          %get3A_238 = arith.index_cast %scan3A_125 : i32 to index
          %get3A_239 = arith.index_cast %get3A_237 : i32 to index
          %get3A_240 = arith.constant 32 : index
          %get3A_241 = tpu.vector_load %arg6[%get3A_238, %get3A_239, %get3A_240] {strides = array<i32>} : memref<25x8x128xf32, #tpu.memory_space<vmem>>, vector<16xf32>,
          %sub3A_242 = arith.subf %get3A_231, %get3A_11 : vector<16xf32>
          %mul3A_243 = arith.constant 5.110000e+02 : f32
          %mul3A_244 = vector.broadcast %mul3A_243 : f32 to vector<16xf32>
          %mul3A_245 = arith.mulf %sub3A_242, %mul3A_244 : vector<16xf32>
          %div3A_246 = arith.divf %mul3A_245, %sub3A : vector<16xf32>
          %convert_element_type3A_247 = arith.fptosi %div3A_246 : vector<16xf32> to vector<16xi32>
          %sub3A_248 = arith.subf %get3A_236, %get3A_13 : vector<16xf32>
          %mul3A_249 = arith.constant 5.110000e+02 : f32
          %mul3A_250 = vector.broadcast %mul3A_249 : f32 to vector<16xf32>
          %mul3A_251 = arith.mulf %sub3A_248, %mul3A_250 : vector<16xf32>
          %div3A_252 = arith.divf %mul3A_251, %sub3A_22 : vector<16xf32>
          %convert_element_type3A_253 = arith.fptosi %div3A_252 : vector<16xf32> to vector<16xi32>
          %sub3A_254 = arith.constant 511 : i32
          %sub3A_255 = vector.broadcast %sub3A_254 : i32 to vector<16xi32>
          %sub3A_256 = arith.subi %sub3A_255, %convert_element_type3A_253 : vector<16xi32>
          %mul3A_257 = arith.constant 512 : i32
          %mul3A_258 = vector.broadcast %mul3A_257 : i32 to vector<16xi32>
          %mul3A_259 = arith.muli %sub3A_256, %mul3A_258 : vector<16xi32>
          %add3A_260 = arith.addi %mul3A_259, %convert_element_type3A_247 : vector<16xi32>
          %max3A_261 = arith.constant 0 : i32
          %max3A_262 = vector.broadcast %max3A_261 : i32 to vector<16xi32>
          %max3A_263 = arith.maxsi %add3A_260, %max3A_262 : vector<16xi32>
          %min3A_264 = arith.constant 262143 : i32
          %min3A_265 = vector.broadcast %min3A_264 : i32 to vector<16xi32>
          %min3A_266 = arith.minsi %max3A_263, %min3A_265 : vector<16xi32>
          %sub3A_267 = arith.subf %get3A_241, %get3A_15 : vector<16xf32>
          %mul3A_268 = arith.constant 2.550000e+02 : f32
          %mul3A_269 = vector.broadcast %mul3A_268 : f32 to vector<16xf32>
          %mul3A_270 = arith.mulf %sub3A_267, %mul3A_269 : vector<16xf32>
          %div3A_271 = arith.divf %mul3A_270, %sub3A_23 : vector<16xf32>
          %add3A_272 = arith.constant 32 : i32
          %add3A_273 = arith.addi %mul3A_128, %add3A_272 : i32
          %swap3A_274 = arith.index_cast %add3A_273 : i32 to index
          %swap3A_275 = tpu.vector_load %arg10[%swap3A_274] {strides = array<i32>} : memref<3200xi32, #tpu.memory_space<vmem>>, vector<16xi32>,
          tpu.vector_store %arg10[%swap3A_274], %min3A_266 {strides = array<i32>} : memref<3200xi32, #tpu.memory_space<vmem>>, vector<16xi32>,
          %swap3A_276 = arith.index_cast %add3A_273 : i32 to index
          %swap3A_277 = tpu.vector_load %arg11[%swap3A_276] {strides = array<i32>} : memref<3200xf32, #tpu.memory_space<vmem>>, vector<16xf32>,
          tpu.vector_store %arg11[%swap3A_276], %div3A_271 {strides = array<i32>} : memref<3200xf32, #tpu.memory_space<vmem>>, vector<16xf32>,
          %get3A_278 = arith.constant 0 : i32
          %get3A_279 = arith.index_cast %scan3A_125 : i32 to index
          %get3A_280 = arith.index_cast %get3A_278 : i32 to index
          %get3A_281 = arith.constant 48 : index
          %get3A_282 = tpu.vector_load %arg6[%get3A_279, %get3A_280, %get3A_281] {strides = array<i32>} : memref<25x8x128xf32, #tpu.memory_space<vmem>>, vector<16xf32>,
          %get3A_283 = arith.constant 1 : i32
          %get3A_284 = arith.index_cast %scan3A_125 : i32 to index
          %get3A_285 = arith.index_cast %get3A_283 : i32 to index
          %get3A_286 = arith.constant 48 : index
          %get3A_287 = tpu.vector_load %arg6[%get3A_284, %get3A_285, %get3A_286] {strides = array<i32>} : memref<25x8x128xf32, #tpu.memory_space<vmem>>, vector<16xf32>,
          %get3A_288 = arith.constant 2 : i32
          %get3A_289 = arith.index_cast %scan3A_125 : i32 to index
          %get3A_290 = arith.index_cast %get3A_288 : i32 to index
          %get3A_291 = arith.constant 48 : index
          %get3A_292 = tpu.vector_load %arg6[%get3A_289, %get3A_290, %get3A_291] {strides = array<i32>} : memref<25x8x128xf32, #tpu.memory_space<vmem>>, vector<16xf32>,
          %sub3A_293 = arith.subf %get3A_282, %get3A_11 : vector<16xf32>
          %mul3A_294 = arith.constant 5.110000e+02 : f32
          %mul3A_295 = vector.broadcast %mul3A_294 : f32 to vector<16xf32>
          %mul3A_296 = arith.mulf %sub3A_293, %mul3A_295 : vector<16xf32>
          %div3A_297 = arith.divf %mul3A_296, %sub3A : vector<16xf32>
          %convert_element_type3A_298 = arith.fptosi %div3A_297 : vector<16xf32> to vector<16xi32>
          %sub3A_299 = arith.subf %get3A_287, %get3A_13 : vector<16xf32>
          %mul3A_300 = arith.constant 5.110000e+02 : f32
          %mul3A_301 = vector.broadcast %mul3A_300 : f32 to vector<16xf32>
          %mul3A_302 = arith.mulf %sub3A_299, %mul3A_301 : vector<16xf32>
          %div3A_303 = arith.divf %mul3A_302, %sub3A_22 : vector<16xf32>
          %convert_element_type3A_304 = arith.fptosi %div3A_303 : vector<16xf32> to vector<16xi32>
          %sub3A_305 = arith.constant 511 : i32
          %sub3A_306 = vector.broadcast %sub3A_305 : i32 to vector<16xi32>
          %sub3A_307 = arith.subi %sub3A_306, %convert_element_type3A_304 : vector<16xi32>
          %mul3A_308 = arith.constant 512 : i32
          %mul3A_309 = vector.broadcast %mul3A_308 : i32 to vector<16xi32>
          %mul3A_310 = arith.muli %sub3A_307, %mul3A_309 : vector<16xi32>
          %add3A_311 = arith.addi %mul3A_310, %convert_element_type3A_298 : vector<16xi32>
          %max3A_312 = arith.constant 0 : i32
          %max3A_313 = vector.broadcast %max3A_312 : i32 to vector<16xi32>
          %max3A_314 = arith.maxsi %add3A_311, %max3A_313 : vector<16xi32>
          %min3A_315 = arith.constant 262143 : i32
          %min3A_316 = vector.broadcast %min3A_315 : i32 to vector<16xi32>
          %min3A_317 = arith.minsi %max3A_314, %min3A_316 : vector<16xi32>
          %sub3A_318 = arith.subf %get3A_292, %get3A_15 : vector<16xf32>
          %mul3A_319 = arith.constant 2.550000e+02 : f32
          %mul3A_320 = vector.broadcast %mul3A_319 : f32 to vector<16xf32>
          %mul3A_321 = arith.mulf %sub3A_318, %mul3A_320 : vector<16xf32>
          %div3A_322 = arith.divf %mul3A_321, %sub3A_23 : vector<16xf32>
          %add3A_323 = arith.constant 48 : i32
          %add3A_324 = arith.addi %mul3A_128, %add3A_323 : i32
          %swap3A_325 = arith.index_cast %add3A_324 : i32 to index
          %swap3A_326 = tpu.vector_load %arg10[%swap3A_325] {strides = array<i32>} : memref<3200xi32, #tpu.memory_space<vmem>>, vector<16xi32>,
          tpu.vector_store %arg10[%swap3A_325], %min3A_317 {strides = array<i32>} : memref<3200xi32, #tpu.memory_space<vmem>>, vector<16xi32>,
          %swap3A_327 = arith.index_cast %add3A_324 : i32 to index
          %swap3A_328 = tpu.vector_load %arg11[%swap3A_327] {strides = array<i32>} : memref<3200xf32, #tpu.memory_space<vmem>>, vector<16xf32>,
          tpu.vector_store %arg11[%swap3A_327], %div3A_322 {strides = array<i32>} : memref<3200xf32, #tpu.memory_space<vmem>>, vector<16xf32>,
          %get3A_329 = arith.constant 0 : i32
          %get3A_330 = arith.index_cast %scan3A_125 : i32 to index
          %get3A_331 = arith.index_cast %get3A_329 : i32 to index
          %get3A_332 = arith.constant 64 : index
          %get3A_333 = tpu.vector_load %arg6[%get3A_330, %get3A_331, %get3A_332] {strides = array<i32>} : memref<25x8x128xf32, #tpu.memory_space<vmem>>, vector<16xf32>,
          %get3A_334 = arith.constant 1 : i32
          %get3A_335 = arith.index_cast %scan3A_125 : i32 to index
          %get3A_336 = arith.index_cast %get3A_334 : i32 to index
          %get3A_337 = arith.constant 64 : index
          %get3A_338 = tpu.vector_load %arg6[%get3A_335, %get3A_336, %get3A_337] {strides = array<i32>} : memref<25x8x128xf32, #tpu.memory_space<vmem>>, vector<16xf32>,
          %get3A_339 = arith.constant 2 : i32
          %get3A_340 = arith.index_cast %scan3A_125 : i32 to index
          %get3A_341 = arith.index_cast %get3A_339 : i32 to index
          %get3A_342 = arith.constant 64 : index
          %get3A_343 = tpu.vector_load %arg6[%get3A_340, %get3A_341, %get3A_342] {strides = array<i32>} : memref<25x8x128xf32, #tpu.memory_space<vmem>>, vector<16xf32>,
          %sub3A_344 = arith.subf %get3A_333, %get3A_11 : vector<16xf32>
          %mul3A_345 = arith.constant 5.110000e+02 : f32
          %mul3A_346 = vector.broadcast %mul3A_345 : f32 to vector<16xf32>
          %mul3A_347 = arith.mulf %sub3A_344, %mul3A_346 : vector<16xf32>
          %div3A_348 = arith.divf %mul3A_347, %sub3A : vector<16xf32>
          %convert_element_type3A_349 = arith.fptosi %div3A_348 : vector<16xf32> to vector<16xi32>
          %sub3A_350 = arith.subf %get3A_338, %get3A_13 : vector<16xf32>
          %mul3A_351 = arith.constant 5.110000e+02 : f32
          %mul3A_352 = vector.broadcast %mul3A_351 : f32 to vector<16xf32>
          %mul3A_353 = arith.mulf %sub3A_350, %mul3A_352 : vector<16xf32>
          %div3A_354 = arith.divf %mul3A_353, %sub3A_22 : vector<16xf32>
          %convert_element_type3A_355 = arith.fptosi %div3A_354 : vector<16xf32> to vector<16xi32>
          %sub3A_356 = arith.constant 511 : i32
          %sub3A_357 = vector.broadcast %sub3A_356 : i32 to vector<16xi32>
          %sub3A_358 = arith.subi %sub3A_357, %convert_element_type3A_355 : vector<16xi32>
          %mul3A_359 = arith.constant 512 : i32
          %mul3A_360 = vector.broadcast %mul3A_359 : i32 to vector<16xi32>
          %mul3A_361 = arith.muli %sub3A_358, %mul3A_360 : vector<16xi32>
          %add3A_362 = arith.addi %mul3A_361, %convert_element_type3A_349 : vector<16xi32>
          %max3A_363 = arith.constant 0 : i32
          %max3A_364 = vector.broadcast %max3A_363 : i32 to vector<16xi32>
          %max3A_365 = arith.maxsi %add3A_362, %max3A_364 : vector<16xi32>
          %min3A_366 = arith.constant 262143 : i32
          %min3A_367 = vector.broadcast %min3A_366 : i32 to vector<16xi32>
          %min3A_368 = arith.minsi %max3A_365, %min3A_367 : vector<16xi32>
          %sub3A_369 = arith.subf %get3A_343, %get3A_15 : vector<16xf32>
          %mul3A_370 = arith.constant 2.550000e+02 : f32
          %mul3A_371 = vector.broadcast %mul3A_370 : f32 to vector<16xf32>
          %mul3A_372 = arith.mulf %sub3A_369, %mul3A_371 : vector<16xf32>
          %div3A_373 = arith.divf %mul3A_372, %sub3A_23 : vector<16xf32>
          %add3A_374 = arith.constant 64 : i32
          %add3A_375 = arith.addi %mul3A_128, %add3A_374 : i32
          %swap3A_376 = arith.index_cast %add3A_375 : i32 to index
          %swap3A_377 = tpu.vector_load %arg10[%swap3A_376] {strides = array<i32>} : memref<3200xi32, #tpu.memory_space<vmem>>, vector<16xi32>,
          tpu.vector_store %arg10[%swap3A_376], %min3A_368 {strides = array<i32>} : memref<3200xi32, #tpu.memory_space<vmem>>, vector<16xi32>,
          %swap3A_378 = arith.index_cast %add3A_375 : i32 to index
          %swap3A_379 = tpu.vector_load %arg11[%swap3A_378] {strides = array<i32>} : memref<3200xf32, #tpu.memory_space<vmem>>, vector<16xf32>,
          tpu.vector_store %arg11[%swap3A_378], %div3A_373 {strides = array<i32>} : memref<3200xf32, #tpu.memory_space<vmem>>, vector<16xf32>,
          %get3A_380 = arith.constant 0 : i32
          %get3A_381 = arith.index_cast %scan3A_125 : i32 to index
          %get3A_382 = arith.index_cast %get3A_380 : i32 to index
          %get3A_383 = arith.constant 80 : index
          %get3A_384 = tpu.vector_load %arg6[%get3A_381, %get3A_382, %get3A_383] {strides = array<i32>} : memref<25x8x128xf32, #tpu.memory_space<vmem>>, vector<16xf32>,
          %get3A_385 = arith.constant 1 : i32
          %get3A_386 = arith.index_cast %scan3A_125 : i32 to index
          %get3A_387 = arith.index_cast %get3A_385 : i32 to index
          %get3A_388 = arith.constant 80 : index
          %get3A_389 = tpu.vector_load %arg6[%get3A_386, %get3A_387, %get3A_388] {strides = array<i32>} : memref<25x8x128xf32, #tpu.memory_space<vmem>>, vector<16xf32>,
          %get3A_390 = arith.constant 2 : i32
          %get3A_391 = arith.index_cast %scan3A_125 : i32 to index
          %get3A_392 = arith.index_cast %get3A_390 : i32 to index
          %get3A_393 = arith.constant 80 : index
          %get3A_394 = tpu.vector_load %arg6[%get3A_391, %get3A_392, %get3A_393] {strides = array<i32>} : memref<25x8x128xf32, #tpu.memory_space<vmem>>, vector<16xf32>,
          %sub3A_395 = arith.subf %get3A_384, %get3A_11 : vector<16xf32>
          %mul3A_396 = arith.constant 5.110000e+02 : f32
          %mul3A_397 = vector.broadcast %mul3A_396 : f32 to vector<16xf32>
          %mul3A_398 = arith.mulf %sub3A_395, %mul3A_397 : vector<16xf32>
          %div3A_399 = arith.divf %mul3A_398, %sub3A : vector<16xf32>
          %convert_element_type3A_400 = arith.fptosi %div3A_399 : vector<16xf32> to vector<16xi32>
          %sub3A_401 = arith.subf %get3A_389, %get3A_13 : vector<16xf32>
          %mul3A_402 = arith.constant 5.110000e+02 : f32
          %mul3A_403 = vector.broadcast %mul3A_402 : f32 to vector<16xf32>
          %mul3A_404 = arith.mulf %sub3A_401, %mul3A_403 : vector<16xf32>
          %div3A_405 = arith.divf %mul3A_404, %sub3A_22 : vector<16xf32>
          %convert_element_type3A_406 = arith.fptosi %div3A_405 : vector<16xf32> to vector<16xi32>
          %sub3A_407 = arith.constant 511 : i32
          %sub3A_408 = vector.broadcast %sub3A_407 : i32 to vector<16xi32>
          %sub3A_409 = arith.subi %sub3A_408, %convert_element_type3A_406 : vector<16xi32>
          %mul3A_410 = arith.constant 512 : i32
          %mul3A_411 = vector.broadcast %mul3A_410 : i32 to vector<16xi32>
          %mul3A_412 = arith.muli %sub3A_409, %mul3A_411 : vector<16xi32>
          %add3A_413 = arith.addi %mul3A_412, %convert_element_type3A_400 : vector<16xi32>
          %max3A_414 = arith.constant 0 : i32
          %max3A_415 = vector.broadcast %max3A_414 : i32 to vector<16xi32>
          %max3A_416 = arith.maxsi %add3A_413, %max3A_415 : vector<16xi32>
          %min3A_417 = arith.constant 262143 : i32
          %min3A_418 = vector.broadcast %min3A_417 : i32 to vector<16xi32>
          %min3A_419 = arith.minsi %max3A_416, %min3A_418 : vector<16xi32>
          %sub3A_420 = arith.subf %get3A_394, %get3A_15 : vector<16xf32>
          %mul3A_421 = arith.constant 2.550000e+02 : f32
          %mul3A_422 = vector.broadcast %mul3A_421 : f32 to vector<16xf32>
          %mul3A_423 = arith.mulf %sub3A_420, %mul3A_422 : vector<16xf32>
          %div3A_424 = arith.divf %mul3A_423, %sub3A_23 : vector<16xf32>
          %add3A_425 = arith.constant 80 : i32
          %add3A_426 = arith.addi %mul3A_128, %add3A_425 : i32
          %swap3A_427 = arith.index_cast %add3A_426 : i32 to index
          %swap3A_428 = tpu.vector_load %arg10[%swap3A_427] {strides = array<i32>} : memref<3200xi32, #tpu.memory_space<vmem>>, vector<16xi32>,
          tpu.vector_store %arg10[%swap3A_427], %min3A_419 {strides = array<i32>} : memref<3200xi32, #tpu.memory_space<vmem>>, vector<16xi32>,
          %swap3A_429 = arith.index_cast %add3A_426 : i32 to index
          %swap3A_430 = tpu.vector_load %arg11[%swap3A_429] {strides = array<i32>} : memref<3200xf32, #tpu.memory_space<vmem>>, vector<16xf32>,
          tpu.vector_store %arg11[%swap3A_429], %div3A_424 {strides = array<i32>} : memref<3200xf32, #tpu.memory_space<vmem>>, vector<16xf32>,
          %get3A_431 = arith.constant 0 : i32
          %get3A_432 = arith.index_cast %scan3A_125 : i32 to index
          %get3A_433 = arith.index_cast %get3A_431 : i32 to index
          %get3A_434 = arith.constant 96 : index
          %get3A_435 = tpu.vector_load %arg6[%get3A_432, %get3A_433, %get3A_434] {strides = array<i32>} : memref<25x8x128xf32, #tpu.memory_space<vmem>>, vector<16xf32>,
          %get3A_436 = arith.constant 1 : i32
          %get3A_437 = arith.index_cast %scan3A_125 : i32 to index
          %get3A_438 = arith.index_cast %get3A_436 : i32 to index
          %get3A_439 = arith.constant 96 : index
          %get3A_440 = tpu.vector_load %arg6[%get3A_437, %get3A_438, %get3A_439] {strides = array<i32>} : memref<25x8x128xf32, #tpu.memory_space<vmem>>, vector<16xf32>,
          %get3A_441 = arith.constant 2 : i32
          %get3A_442 = arith.index_cast %scan3A_125 : i32 to index
          %get3A_443 = arith.index_cast %get3A_441 : i32 to index
          %get3A_444 = arith.constant 96 : index
          %get3A_445 = tpu.vector_load %arg6[%get3A_442, %get3A_443, %get3A_444] {strides = array<i32>} : memref<25x8x128xf32, #tpu.memory_space<vmem>>, vector<16xf32>,
          %sub3A_446 = arith.subf %get3A_435, %get3A_11 : vector<16xf32>
          %mul3A_447 = arith.constant 5.110000e+02 : f32
          %mul3A_448 = vector.broadcast %mul3A_447 : f32 to vector<16xf32>
          %mul3A_449 = arith.mulf %sub3A_446, %mul3A_448 : vector<16xf32>
          %div3A_450 = arith.divf %mul3A_449, %sub3A : vector<16xf32>
          %convert_element_type3A_451 = arith.fptosi %div3A_450 : vector<16xf32> to vector<16xi32>
          %sub3A_452 = arith.subf %get3A_440, %get3A_13 : vector<16xf32>
          %mul3A_453 = arith.constant 5.110000e+02 : f32
          %mul3A_454 = vector.broadcast %mul3A_453 : f32 to vector<16xf32>
          %mul3A_455 = arith.mulf %sub3A_452, %mul3A_454 : vector<16xf32>
          %div3A_456 = arith.divf %mul3A_455, %sub3A_22 : vector<16xf32>
          %convert_element_type3A_457 = arith.fptosi %div3A_456 : vector<16xf32> to vector<16xi32>
          %sub3A_458 = arith.constant 511 : i32
          %sub3A_459 = vector.broadcast %sub3A_458 : i32 to vector<16xi32>
          %sub3A_460 = arith.subi %sub3A_459, %convert_element_type3A_457 : vector<16xi32>
          %mul3A_461 = arith.constant 512 : i32
          %mul3A_462 = vector.broadcast %mul3A_461 : i32 to vector<16xi32>
          %mul3A_463 = arith.muli %sub3A_460, %mul3A_462 : vector<16xi32>
          %add3A_464 = arith.addi %mul3A_463, %convert_element_type3A_451 : vector<16xi32>
          %max3A_465 = arith.constant 0 : i32
          %max3A_466 = vector.broadcast %max3A_465 : i32 to vector<16xi32>
          %max3A_467 = arith.maxsi %add3A_464, %max3A_466 : vector<16xi32>
          %min3A_468 = arith.constant 262143 : i32
          %min3A_469 = vector.broadcast %min3A_468 : i32 to vector<16xi32>
          %min3A_470 = arith.minsi %max3A_467, %min3A_469 : vector<16xi32>
          %sub3A_471 = arith.subf %get3A_445, %get3A_15 : vector<16xf32>
          %mul3A_472 = arith.constant 2.550000e+02 : f32
          %mul3A_473 = vector.broadcast %mul3A_472 : f32 to vector<16xf32>
          %mul3A_474 = arith.mulf %sub3A_471, %mul3A_473 : vector<16xf32>
          %div3A_475 = arith.divf %mul3A_474, %sub3A_23 : vector<16xf32>
          %add3A_476 = arith.constant 96 : i32
          %add3A_477 = arith.addi %mul3A_128, %add3A_476 : i32
          %swap3A_478 = arith.index_cast %add3A_477 : i32 to index
          %swap3A_479 = tpu.vector_load %arg10[%swap3A_478] {strides = array<i32>} : memref<3200xi32, #tpu.memory_space<vmem>>, vector<16xi32>,
          tpu.vector_store %arg10[%swap3A_478], %min3A_470 {strides = array<i32>} : memref<3200xi32, #tpu.memory_space<vmem>>, vector<16xi32>,
          %swap3A_480 = arith.index_cast %add3A_477 : i32 to index
          %swap3A_481 = tpu.vector_load %arg11[%swap3A_480] {strides = array<i32>} : memref<3200xf32, #tpu.memory_space<vmem>>, vector<16xf32>,
          tpu.vector_store %arg11[%swap3A_480], %div3A_475 {strides = array<i32>} : memref<3200xf32, #tpu.memory_space<vmem>>, vector<16xf32>,
          %get3A_482 = arith.constant 0 : i32
          %get3A_483 = arith.index_cast %scan3A_125 : i32 to index
          %get3A_484 = arith.index_cast %get3A_482 : i32 to index
          %get3A_485 = arith.constant 112 : index
          %get3A_486 = tpu.vector_load %arg6[%get3A_483, %get3A_484, %get3A_485] {strides = array<i32>} : memref<25x8x128xf32, #tpu.memory_space<vmem>>, vector<16xf32>,
          %get3A_487 = arith.constant 1 : i32
          %get3A_488 = arith.index_cast %scan3A_125 : i32 to index
          %get3A_489 = arith.index_cast %get3A_487 : i32 to index
          %get3A_490 = arith.constant 112 : index
          %get3A_491 = tpu.vector_load %arg6[%get3A_488, %get3A_489, %get3A_490] {strides = array<i32>} : memref<25x8x128xf32, #tpu.memory_space<vmem>>, vector<16xf32>,
          %get3A_492 = arith.constant 2 : i32
          %get3A_493 = arith.index_cast %scan3A_125 : i32 to index
          %get3A_494 = arith.index_cast %get3A_492 : i32 to index
          %get3A_495 = arith.constant 112 : index
          %get3A_496 = tpu.vector_load %arg6[%get3A_493, %get3A_494, %get3A_495] {strides = array<i32>} : memref<25x8x128xf32, #tpu.memory_space<vmem>>, vector<16xf32>,
          %sub3A_497 = arith.subf %get3A_486, %get3A_11 : vector<16xf32>
          %mul3A_498 = arith.constant 5.110000e+02 : f32
          %mul3A_499 = vector.broadcast %mul3A_498 : f32 to vector<16xf32>
          %mul3A_500 = arith.mulf %sub3A_497, %mul3A_499 : vector<16xf32>
          %div3A_501 = arith.divf %mul3A_500, %sub3A : vector<16xf32>
          %convert_element_type3A_502 = arith.fptosi %div3A_501 : vector<16xf32> to vector<16xi32>
          %sub3A_503 = arith.subf %get3A_491, %get3A_13 : vector<16xf32>
          %mul3A_504 = arith.constant 5.110000e+02 : f32
          %mul3A_505 = vector.broadcast %mul3A_504 : f32 to vector<16xf32>
          %mul3A_506 = arith.mulf %sub3A_503, %mul3A_505 : vector<16xf32>
          %div3A_507 = arith.divf %mul3A_506, %sub3A_22 : vector<16xf32>
          %convert_element_type3A_508 = arith.fptosi %div3A_507 : vector<16xf32> to vector<16xi32>
          %sub3A_509 = arith.constant 511 : i32
          %sub3A_510 = vector.broadcast %sub3A_509 : i32 to vector<16xi32>
          %sub3A_511 = arith.subi %sub3A_510, %convert_element_type3A_508 : vector<16xi32>
          %mul3A_512 = arith.constant 512 : i32
          %mul3A_513 = vector.broadcast %mul3A_512 : i32 to vector<16xi32>
          %mul3A_514 = arith.muli %sub3A_511, %mul3A_513 : vector<16xi32>
          %add3A_515 = arith.addi %mul3A_514, %convert_element_type3A_502 : vector<16xi32>
          %max3A_516 = arith.constant 0 : i32
          %max3A_517 = vector.broadcast %max3A_516 : i32 to vector<16xi32>
          %max3A_518 = arith.maxsi %add3A_515, %max3A_517 : vector<16xi32>
          %min3A_519 = arith.constant 262143 : i32
          %min3A_520 = vector.broadcast %min3A_519 : i32 to vector<16xi32>
          %min3A_521 = arith.minsi %max3A_518, %min3A_520 : vector<16xi32>
          %sub3A_522 = arith.subf %get3A_496, %get3A_15 : vector<16xf32>
          %mul3A_523 = arith.constant 2.550000e+02 : f32
          %mul3A_524 = vector.broadcast %mul3A_523 : f32 to vector<16xf32>
          %mul3A_525 = arith.mulf %sub3A_522, %mul3A_524 : vector<16xf32>
          %div3A_526 = arith.divf %mul3A_525, %sub3A_23 : vector<16xf32>
          %add3A_527 = arith.constant 112 : i32
          %add3A_528 = arith.addi %mul3A_128, %add3A_527 : i32
          %swap3A_529 = arith.index_cast %add3A_528 : i32 to index
          %swap3A_530 = tpu.vector_load %arg10[%swap3A_529] {strides = array<i32>} : memref<3200xi32, #tpu.memory_space<vmem>>, vector<16xi32>,
          tpu.vector_store %arg10[%swap3A_529], %min3A_521 {strides = array<i32>} : memref<3200xi32, #tpu.memory_space<vmem>>, vector<16xi32>,
          %swap3A_531 = arith.index_cast %add3A_528 : i32 to index
          %swap3A_532 = tpu.vector_load %arg11[%swap3A_531] {strides = array<i32>} : memref<3200xf32, #tpu.memory_space<vmem>>, vector<16xf32>,
          tpu.vector_store %arg11[%swap3A_531], %div3A_526 {strides = array<i32>} : memref<3200xf32, #tpu.memory_space<vmem>>, vector<16xf32>,
          %scan3A_533 = arith.constant 0 : i32
          scf.yield %scan3A_533 : i32
        }
        %scan3A_121 = arith.constant 25 : i32
        %dma_start3A = arith.constant 0 : i32
        %dma_start3A_122 = tpu.memref_slice %arg14[%dma_start3A] : memref<262144xf32, #tpu.memory_space<vmem_shared>> -> memref<262144xf32, #tpu.memory_space<vmem_shared>>
        tpu.enqueue_indirect_dma source(%arg11 : memref<3200xf32, #tpu.memory_space<vmem>>) target(%dma_start3A_122 : memref<262144xf32, #tpu.memory_space<vmem_shared>>) offsets(%arg10 : memref<3200xi32, #tpu.memory_space<vmem>>) semaphore(%arg17 : memref<!tpu.dma_semaphore, #tpu.memory_space<semaphore_mem>>) {add = true}
        %dma_start3A_123 = arith.constant 0 : i32
        %dma_start3A_124 = tpu.memref_slice %arg15[%dma_start3A_123] : memref<262144xf32, #tpu.memory_space<vmem_shared>> -> memref<262144xf32, #tpu.memory_space<vmem_shared>>
        tpu.enqueue_indirect_dma source(%arg12 : memref<3200xf32, #tpu.memory_space<vmem>>) target(%dma_start3A_124 : memref<262144xf32, #tpu.memory_space<vmem_shared>>) offsets(%arg10 : memref<3200xi32, #tpu.memory_space<vmem>>) semaphore(%arg17 : memref<!tpu.dma_semaphore, #tpu.memory_space<semaphore_mem>>) {add = true}
      } else {
      }
      %scan3A_102 = arith.constant 0 : i32
      scf.yield %scan3A_102 : i32
    }
    %scan3A_38 = arith.constant 10 : i32
    %dma_wait3A = arith.constant 0 : i32
    %dma_wait3A_39 = arith.constant 0 : i32
    %dma_wait3A_40 = tpu.memref_slice %arg4[%arg0, %dma_wait3A, %dma_wait3A_39] : memref<2x2x262144xf32, #tpu.memory_space<hbm>> -> memref<1x1x3200xf32, #tpu.memory_space<hbm>>
    %dma_wait3A_41 = tpu.memref_squeeze %dma_wait3A_40 : memref<1x1x3200xf32, #tpu.memory_space<hbm>> -> memref<3200xf32, #tpu.memory_space<hbm>>
    %dma_wait3A_42 = arith.constant 0 : i32
    %dma_wait3A_43 = tpu.memref_slice %arg4[%arg0, %dma_wait3A, %dma_wait3A_42] : memref<2x2x262144xf32, #tpu.memory_space<hbm>> -> memref<1x1x3200xf32, #tpu.memory_space<hbm>>
    %dma_wait3A_44 = tpu.memref_squeeze %dma_wait3A_43 : memref<1x1x3200xf32, #tpu.memory_space<hbm>> -> memref<3200xf32, #tpu.memory_space<hbm>>
    tpu.wait_dma2 semaphore(%arg16 : memref<!tpu.dma_semaphore, #tpu.memory_space<semaphore_mem>>) src(%dma_wait3A_44 : memref<3200xf32, #tpu.memory_space<hbm>>) dst(%arg9 : memref<3200xf32, #tpu.memory_space<vmem>>)
    %dma_wait3A_45 = arith.constant 0 : i32
    %dma_wait3A_46 = arith.constant 0 : i32
    %dma_wait3A_47 = tpu.memref_slice %arg4[%arg0, %dma_wait3A_45, %dma_wait3A_46] : memref<2x2x262144xf32, #tpu.memory_space<hbm>> -> memref<1x1x3200xf32, #tpu.memory_space<hbm>>
    %dma_wait3A_48 = tpu.memref_squeeze %dma_wait3A_47 : memref<1x1x3200xf32, #tpu.memory_space<hbm>> -> memref<3200xf32, #tpu.memory_space<hbm>>
    %dma_wait3A_49 = arith.constant 0 : i32
    %dma_wait3A_50 = tpu.memref_slice %arg4[%arg0, %dma_wait3A_45, %dma_wait3A_49] : memref<2x2x262144xf32, #tpu.memory_space<hbm>> -> memref<1x1x3200xf32, #tpu.memory_space<hbm>>
    %dma_wait3A_51 = tpu.memref_squeeze %dma_wait3A_50 : memref<1x1x3200xf32, #tpu.memory_space<hbm>> -> memref<3200xf32, #tpu.memory_space<hbm>>
    tpu.wait_dma2 semaphore(%arg16 : memref<!tpu.dma_semaphore, #tpu.memory_space<semaphore_mem>>) src(%dma_wait3A_51 : memref<3200xf32, #tpu.memory_space<hbm>>) dst(%arg9 : memref<3200xf32, #tpu.memory_space<vmem>>)
    %dma_wait3A_52 = arith.constant 0 : i32
    %dma_wait3A_53 = arith.constant 0 : i32
    %dma_wait3A_54 = tpu.memref_slice %arg4[%arg0, %dma_wait3A_52, %dma_wait3A_53] : memref<2x2x262144xf32, #tpu.memory_space<hbm>> -> memref<1x1x3200xf32, #tpu.memory_space<hbm>>
    %dma_wait3A_55 = tpu.memref_squeeze %dma_wait3A_54 : memref<1x1x3200xf32, #tpu.memory_space<hbm>> -> memref<3200xf32, #tpu.memory_space<hbm>>
    %dma_wait3A_56 = arith.constant 0 : i32
    %dma_wait3A_57 = tpu.memref_slice %arg4[%arg0, %dma_wait3A_52, %dma_wait3A_56] : memref<2x2x262144xf32, #tpu.memory_space<hbm>> -> memref<1x1x3200xf32, #tpu.memory_space<hbm>>
    %dma_wait3A_58 = tpu.memref_squeeze %dma_wait3A_57 : memref<1x1x3200xf32, #tpu.memory_space<hbm>> -> memref<3200xf32, #tpu.memory_space<hbm>>
    tpu.wait_dma2 semaphore(%arg17 : memref<!tpu.dma_semaphore, #tpu.memory_space<semaphore_mem>>) src(%dma_wait3A_58 : memref<3200xf32, #tpu.memory_space<hbm>>) dst(%arg11 : memref<3200xf32, #tpu.memory_space<vmem>>)
    %dma_wait3A_59 = arith.constant 0 : i32
    %dma_wait3A_60 = arith.constant 0 : i32
    %dma_wait3A_61 = tpu.memref_slice %arg4[%arg0, %dma_wait3A_59, %dma_wait3A_60] : memref<2x2x262144xf32, #tpu.memory_space<hbm>> -> memref<1x1x3200xf32, #tpu.memory_space<hbm>>
    %dma_wait3A_62 = tpu.memref_squeeze %dma_wait3A_61 : memref<1x1x3200xf32, #tpu.memory_space<hbm>> -> memref<3200xf32, #tpu.memory_space<hbm>>
    %dma_wait3A_63 = arith.constant 0 : i32
    %dma_wait3A_64 = tpu.memref_slice %arg4[%arg0, %dma_wait3A_59, %dma_wait3A_63] : memref<2x2x262144xf32, #tpu.memory_space<hbm>> -> memref<1x1x3200xf32, #tpu.memory_space<hbm>>
    %dma_wait3A_65 = tpu.memref_squeeze %dma_wait3A_64 : memref<1x1x3200xf32, #tpu.memory_space<hbm>> -> memref<3200xf32, #tpu.memory_space<hbm>>
    tpu.wait_dma2 semaphore(%arg17 : memref<!tpu.dma_semaphore, #tpu.memory_space<semaphore_mem>>) src(%dma_wait3A_65 : memref<3200xf32, #tpu.memory_space<hbm>>) dst(%arg11 : memref<3200xf32, #tpu.memory_space<vmem>>)
    %barrier3A_66 = arith.constant 0 : index
    tpu.barrier barrier_id(%barrier3A_66)
    %mul3A_67 = arith.constant 16384 : i32
    %mul3A_68 = arith.muli %arg1, %mul3A_67 : i32
    "tpu.region"() ({
      %run_scoped3A_76 = tpu.sem_alloc : memref<!tpu.dma_semaphore, #tpu.memory_space<semaphore_mem>>
      %dma_start3A = tpu.memref_slice %arg14[%mul3A_68] : memref<262144xf32, #tpu.memory_space<vmem_shared>> -> memref<16384xf32, #tpu.memory_space<vmem_shared>>
      %dma_start3A_77 = tpu.memref_slice %arg14[%mul3A_68] : memref<262144xf32, #tpu.memory_space<vmem_shared>> -> memref<16384xf32, #tpu.memory_space<vmem_shared>>
      tpu.enqueue_dma source(%dma_start3A_77 : memref<16384xf32, #tpu.memory_space<vmem_shared>>) target(%arg13 : memref<16384xf32, #tpu.memory_space<vmem>>) target_semaphore(%run_scoped3A_76 : memref<!tpu.dma_semaphore, #tpu.memory_space<semaphore_mem>>)
      %dma_wait3A_78 = tpu.memref_slice %arg14[%mul3A_68] : memref<262144xf32, #tpu.memory_space<vmem_shared>> -> memref<16384xf32, #tpu.memory_space<vmem_shared>>
      %dma_wait3A_79 = tpu.memref_slice %arg14[%mul3A_68] : memref<262144xf32, #tpu.memory_space<vmem_shared>> -> memref<16384xf32, #tpu.memory_space<vmem_shared>>
      tpu.wait_dma2 semaphore(%run_scoped3A_76 : memref<!tpu.dma_semaphore, #tpu.memory_space<semaphore_mem>>) src(%dma_wait3A_79 : memref<16384xf32, #tpu.memory_space<vmem_shared>>) dst(%arg13 : memref<16384xf32, #tpu.memory_space<vmem>>)
      tpu.yield
    }) : () -> ()
    %mul3A_69 = arith.constant 16384 : i32
    %mul3A_70 = arith.muli %arg1, %mul3A_69 : i32
    %run_scoped3A = arith.constant 0 : i32
    "tpu.region"() ({
      %run_scoped3A_76 = tpu.sem_alloc : memref<!tpu.dma_semaphore, #tpu.memory_space<semaphore_mem>>
      %dma_start3A = tpu.memref_slice %arg4[%arg0, %run_scoped3A, %mul3A_70] : memref<2x2x262144xf32, #tpu.memory_space<hbm>> -> memref<1x1x16384xf32, #tpu.memory_space<hbm>>
      %dma_start3A_77 = tpu.memref_squeeze %dma_start3A : memref<1x1x16384xf32, #tpu.memory_space<hbm>> -> memref<16384xf32, #tpu.memory_space<hbm>>
      %dma_start3A_78 = tpu.memref_slice %arg4[%arg0, %run_scoped3A, %mul3A_70] : memref<2x2x262144xf32, #tpu.memory_space<hbm>> -> memref<1x1x16384xf32, #tpu.memory_space<hbm>>
      %dma_start3A_79 = tpu.memref_squeeze %dma_start3A_78 : memref<1x1x16384xf32, #tpu.memory_space<hbm>> -> memref<16384xf32, #tpu.memory_space<hbm>>
      tpu.enqueue_dma source(%arg13 : memref<16384xf32, #tpu.memory_space<vmem>>) target(%dma_start3A_79 : memref<16384xf32, #tpu.memory_space<hbm>>) target_semaphore(%run_scoped3A_76 : memref<!tpu.dma_semaphore, #tpu.memory_space<semaphore_mem>>)
      %dma_wait3A_80 = tpu.memref_slice %arg4[%arg0, %run_scoped3A, %mul3A_70] : memref<2x2x262144xf32, #tpu.memory_space<hbm>> -> memref<1x1x16384xf32, #tpu.memory_space<hbm>>
      %dma_wait3A_81 = tpu.memref_squeeze %dma_wait3A_80 : memref<1x1x16384xf32, #tpu.memory_space<hbm>> -> memref<16384xf32, #tpu.memory_space<hbm>>
      %dma_wait3A_82 = tpu.memref_slice %arg4[%arg0, %run_scoped3A, %mul3A_70] : memref<2x2x262144xf32, #tpu.memory_space<hbm>> -> memref<1x1x16384xf32, #tpu.memory_space<hbm>>
      %dma_wait3A_83 = tpu.memref_squeeze %dma_wait3A_82 : memref<1x1x16384xf32, #tpu.memory_space<hbm>> -> memref<16384xf32, #tpu.memory_space<hbm>>
      tpu.wait_dma2 semaphore(%run_scoped3A_76 : memref<!tpu.dma_semaphore, #tpu.memory_space<semaphore_mem>>) src(%arg13 : memref<16384xf32, #tpu.memory_space<vmem>>) dst(%dma_wait3A_83 : memref<16384xf32, #tpu.memory_space<hbm>>)
      tpu.yield
    }) : () -> ()
    %mul3A_71 = arith.constant 16384 : i32
    %mul3A_72 = arith.muli %arg1, %mul3A_71 : i32
    "tpu.region"() ({
      %run_scoped3A_76 = tpu.sem_alloc : memref<!tpu.dma_semaphore, #tpu.memory_space<semaphore_mem>>
      %dma_start3A = tpu.memref_slice %arg15[%mul3A_72] : memref<262144xf32, #tpu.memory_space<vmem_shared>> -> memref<16384xf32, #tpu.memory_space<vmem_shared>>
      %dma_start3A_77 = tpu.memref_slice %arg15[%mul3A_72] : memref<262144xf32, #tpu.memory_space<vmem_shared>> -> memref<16384xf32, #tpu.memory_space<vmem_shared>>
      tpu.enqueue_dma source(%dma_start3A_77 : memref<16384xf32, #tpu.memory_space<vmem_shared>>) target(%arg13 : memref<16384xf32, #tpu.memory_space<vmem>>) target_semaphore(%run_scoped3A_76 : memref<!tpu.dma_semaphore, #tpu.memory_space<semaphore_mem>>)
      %dma_wait3A_78 = tpu.memref_slice %arg15[%mul3A_72] : memref<262144xf32, #tpu.memory_space<vmem_shared>> -> memref<16384xf32, #tpu.memory_space<vmem_shared>>
      %dma_wait3A_79 = tpu.memref_slice %arg15[%mul3A_72] : memref<262144xf32, #tpu.memory_space<vmem_shared>> -> memref<16384xf32, #tpu.memory_space<vmem_shared>>
      tpu.wait_dma2 semaphore(%run_scoped3A_76 : memref<!tpu.dma_semaphore, #tpu.memory_space<semaphore_mem>>) src(%dma_wait3A_79 : memref<16384xf32, #tpu.memory_space<vmem_shared>>) dst(%arg13 : memref<16384xf32, #tpu.memory_space<vmem>>)
      tpu.yield
    }) : () -> ()
    %mul3A_73 = arith.constant 16384 : i32
    %mul3A_74 = arith.muli %arg1, %mul3A_73 : i32
    %run_scoped3A_75 = arith.constant 1 : i32
    "tpu.region"() ({
      %run_scoped3A_76 = tpu.sem_alloc : memref<!tpu.dma_semaphore, #tpu.memory_space<semaphore_mem>>
      %dma_start3A = tpu.memref_slice %arg4[%arg0, %run_scoped3A_75, %mul3A_74] : memref<2x2x262144xf32, #tpu.memory_space<hbm>> -> memref<1x1x16384xf32, #tpu.memory_space<hbm>>
      %dma_start3A_77 = tpu.memref_squeeze %dma_start3A : memref<1x1x16384xf32, #tpu.memory_space<hbm>> -> memref<16384xf32, #tpu.memory_space<hbm>>
      %dma_start3A_78 = tpu.memref_slice %arg4[%arg0, %run_scoped3A_75, %mul3A_74] : memref<2x2x262144xf32, #tpu.memory_space<hbm>> -> memref<1x1x16384xf32, #tpu.memory_space<hbm>>
      %dma_start3A_79 = tpu.memref_squeeze %dma_start3A_78 : memref<1x1x16384xf32, #tpu.memory_space<hbm>> -> memref<16384xf32, #tpu.memory_space<hbm>>
      tpu.enqueue_dma source(%arg13 : memref<16384xf32, #tpu.memory_space<vmem>>) target(%dma_start3A_79 : memref<16384xf32, #tpu.memory_space<hbm>>) target_semaphore(%run_scoped3A_76 : memref<!tpu.dma_semaphore, #tpu.memory_space<semaphore_mem>>)
      %dma_wait3A_80 = tpu.memref_slice %arg4[%arg0, %run_scoped3A_75, %mul3A_74] : memref<2x2x262144xf32, #tpu.memory_space<hbm>> -> memref<1x1x16384xf32, #tpu.memory_space<hbm>>
      %dma_wait3A_81 = tpu.memref_squeeze %dma_wait3A_80 : memref<1x1x16384xf32, #tpu.memory_space<hbm>> -> memref<16384xf32, #tpu.memory_space<hbm>>
      %dma_wait3A_82 = tpu.memref_slice %arg4[%arg0, %run_scoped3A_75, %mul3A_74] : memref<2x2x262144xf32, #tpu.memory_space<hbm>> -> memref<1x1x16384xf32, #tpu.memory_space<hbm>>
      %dma_wait3A_83 = tpu.memref_squeeze %dma_wait3A_82 : memref<1x1x16384xf32, #tpu.memory_space<hbm>> -> memref<16384xf32, #tpu.memory_space<hbm>>
      tpu.wait_dma2 semaphore(%run_scoped3A_76 : memref<!tpu.dma_semaphore, #tpu.memory_space<semaphore_mem>>) src(%arg13 : memref<16384xf32, #tpu.memory_space<vmem>>) dst(%dma_wait3A_83 : memref<16384xf32, #tpu.memory_space<hbm>>)
      tpu.yield
    }) : () -> ()
    return
  }
}

module attributes {stable_mosaic.version = 14 : i64} {
  func.func @_minmax_body(%arg0: i32, %arg1: memref<3x40960xf32, #tpu.memory_space<vmem>>, %arg2: memref<8x128xf32, #tpu.memory_space<vmem>>, %arg3: memref<320x8x128xf32, #tpu.memory_space<vmem>>) attributes {dimension_semantics = [#tpu.dimension_semantics<arbitrary>], iteration_bounds = array<i64: 49>, scalar_prefetch = 0 : i64, scratch_operands = 0 : i64, tpu.core_type = #tpu.core_type<tc>, window_params = [{transform_indices = @transform_0, window_bounds = array<i64: 3, 40960>}, {pipeline_mode = #tpu.pipeline_mode<synchronous>, transform_indices = @transform_1, window_bounds = array<i64: 8, 128>}, {transform_indices = @transform_2, window_bounds = array<i64: 320, 8, 128>}]} {
    %get3A = arith.constant 0 : index
    %get3A_0 = arith.constant 0 : index
    %get3A_1 = vector.load %arg1[%get3A, %get3A_0] : memref<3x40960xf32, #tpu.memory_space<vmem>>, vector<3x40960xf32>
    %broadcast_in_dim3A = arith.constant 0.000000e+00 : f32
    %broadcast_in_dim3A_2 = vector.broadcast %broadcast_in_dim3A : f32 to vector<5x40960xf32>
    %concatenate3A = tpu.concatenate %get3A_1, %broadcast_in_dim3A_2 in 0 : vector<3x40960xf32>, vector<5x40960xf32> -> vector<8x40960xf32>
    %reshape3A = vector.shape_cast %concatenate3A : vector<8x40960xf32> to vector<8x320x128xf32>
    %transpose3A = tpu.transpose %reshape3A, [1, 0, 2] : vector<8x320x128xf32> -> vector<320x8x128xf32>
    %swap3A = arith.constant 0 : index
    %swap3A_3 = arith.constant 0 : index
    %swap3A_4 = arith.constant 0 : index
    %swap3A_5 = vector.load %arg3[%swap3A, %swap3A_3, %swap3A_4] : memref<320x8x128xf32, #tpu.memory_space<vmem>>, vector<320x8x128xf32>
    tpu.vector_store %arg3[%swap3A, %swap3A_3, %swap3A_4], %transpose3A {strides = array<i32>} : memref<320x8x128xf32, #tpu.memory_space<vmem>>, vector<320x8x128xf32>,
    %iota3A = tpu.iota {dimensions = array<i32: 1>} : vector<3x40960xi32>
    %mul3A = arith.constant 40960 : i32
    %mul3A_6 = arith.muli %arg0, %mul3A : i32
    %add3A = vector.broadcast %mul3A_6 : i32 to vector<3x40960xi32>
    %add3A_7 = arith.addi %add3A, %iota3A : vector<3x40960xi32>
    %lt3A = arith.constant 2000000 : i32
    %lt3A_8 = vector.broadcast %lt3A : i32 to vector<3x40960xi32>
    %lt3A_9 = arith.cmpi slt, %add3A_7, %lt3A_8 : vector<3x40960xi32>
    %jit3A = arith.constant 0x7F800000 : f32
    %broadcast_in_dim3A_10 = vector.broadcast %jit3A : f32 to vector<3x40960xf32>
    %select_n3A = arith.select %lt3A_9, %get3A_1, %broadcast_in_dim3A_10 : vector<3x40960xi1>, vector<3x40960xf32>
    %jit3A_11 = arith.constant 0xFF800000 : f32
    %broadcast_in_dim3A_12 = vector.broadcast %jit3A_11 : f32 to vector<3x40960xf32>
    %select_n3A_13 = arith.select %lt3A_9, %get3A_1, %broadcast_in_dim3A_12 : vector<3x40960xi1>, vector<3x40960xf32>
    %reduce_min3A = arith.constant dense<0x7F800000> : vector<3xf32>
    %reduce_min3A_14 = vector.multi_reduction <minimumf>, %select_n3A, %reduce_min3A [1] : vector<3x40960xf32> to vector<3xf32>
    %broadcast_in_dim3A_15 = vector.shape_cast %reduce_min3A_14 : vector<3xf32> to vector<3x1xf32>
    %broadcast_in_dim3A_16 = vector.shape_cast %broadcast_in_dim3A_15 : vector<3x1xf32> to vector<3x1xf32>
    %broadcast_in_dim3A_17 = vector.broadcast %broadcast_in_dim3A_16 : vector<3x1xf32> to vector<3x128xf32>
    %reduce_max3A = arith.constant dense<0xFF800000> : vector<3xf32>
    %reduce_max3A_18 = vector.multi_reduction <maximumf>, %select_n3A_13, %reduce_max3A [1] : vector<3x40960xf32> to vector<3xf32>
    %broadcast_in_dim3A_19 = vector.shape_cast %reduce_max3A_18 : vector<3xf32> to vector<3x1xf32>
    %broadcast_in_dim3A_20 = vector.shape_cast %broadcast_in_dim3A_19 : vector<3x1xf32> to vector<3x1xf32>
    %broadcast_in_dim3A_21 = vector.broadcast %broadcast_in_dim3A_20 : vector<3x1xf32> to vector<3x128xf32>
    %broadcast_in_dim3A_22 = arith.constant 0.000000e+00 : f32
    %broadcast_in_dim3A_23 = vector.broadcast %broadcast_in_dim3A_22 : f32 to vector<1x128xf32>
    %concatenate3A_24 = tpu.concatenate %broadcast_in_dim3A_17, %broadcast_in_dim3A_23, %broadcast_in_dim3A_21, %broadcast_in_dim3A_23 in 0 : vector<3x128xf32>, vector<1x128xf32>, vector<3x128xf32>, vector<1x128xf32> -> vector<8x128xf32>
    %iota3A_25 = tpu.iota {dimensions = array<i32: 0>} : vector<8x128xi32>
    %get3A_26 = arith.constant 0 : index
    %get3A_27 = arith.constant 0 : index
    %get3A_28 = vector.load %arg2[%get3A_26, %get3A_27] : memref<8x128xf32, #tpu.memory_space<vmem>>, vector<8x128xf32>
    %lt3A_29 = arith.constant 4 : i32
    %lt3A_30 = vector.broadcast %lt3A_29 : i32 to vector<8x128xi32>
    %lt3A_31 = arith.cmpi slt, %iota3A_25, %lt3A_30 : vector<8x128xi32>
    %min3A = arith.minimumf %get3A_28, %concatenate3A_24 : vector<8x128xf32>
    %max3A = arith.maximumf %get3A_28, %concatenate3A_24 : vector<8x128xf32>
    %select_n3A_32 = arith.select %lt3A_31, %min3A, %max3A : vector<8x128xi1>, vector<8x128xf32>
    %eq3A = arith.constant 0 : i32
    %eq3A_33 = arith.cmpi eq, %arg0, %eq3A : i32
    %select_n3A_34 = arith.select %eq3A_33, %concatenate3A_24, %select_n3A_32 : vector<8x128xf32>
    %swap3A_35 = arith.constant 0 : index
    %swap3A_36 = arith.constant 0 : index
    %swap3A_37 = vector.load %arg2[%swap3A_35, %swap3A_36] : memref<8x128xf32, #tpu.memory_space<vmem>>, vector<8x128xf32>
    tpu.vector_store %arg2[%swap3A_35, %swap3A_36], %select_n3A_34 {strides = array<i32>} : memref<8x128xf32, #tpu.memory_space<vmem>>, vector<8x128xf32>,
    return
  }
  func.func @transform_0(%arg0: i32) -> (i32, i32) {
    %c0_i32 = arith.constant 0 : i32
    %c0_i32_0 = arith.constant 0 : i32
    return %c0_i32, %arg0 : i32, i32
  }
  func.func @transform_1(%arg0: i32) -> (i32, i32) {
    %c0_i32 = arith.constant 0 : i32
    %c0_i32_0 = arith.constant 0 : i32
    %c0_i32_1 = arith.constant 0 : i32
    return %c0_i32, %c0_i32_0 : i32, i32
  }
  func.func @transform_2(%arg0: i32) -> (i32, i32, i32) {
    %c0_i32 = arith.constant 0 : i32
    %c0_i32_0 = arith.constant 0 : i32
    %c0_i32_1 = arith.constant 0 : i32
    return %arg0, %c0_i32, %c0_i32_0 : i32, i32, i32
  }
}

module attributes {stable_mosaic.version = 14 : i64} {
  func.func @_combine_body(%arg0: i32, %arg1: memref<2x2x64x512xf32, #tpu.memory_space<vmem>>, %arg2: memref<64x512xf32, #tpu.memory_space<vmem>>) attributes {dimension_semantics = [#tpu.dimension_semantics<arbitrary>], iteration_bounds = array<i64: 8>, scalar_prefetch = 0 : i64, scratch_operands = 0 : i64, tpu.core_type = #tpu.core_type<tc>, window_params = [{transform_indices = @transform_0, window_bounds = array<i64: 2, 2, 64, 512>}, {transform_indices = @transform_1, window_bounds = array<i64: 64, 512>}]} {
    %get3A = arith.constant 0 : index
    %get3A_0 = arith.constant 0 : index
    %get3A_1 = arith.constant 0 : index
    %get3A_2 = arith.constant 0 : index
    %get3A_3 = vector.load %arg1[%get3A, %get3A_0, %get3A_1, %get3A_2] : memref<2x2x64x512xf32, #tpu.memory_space<vmem>>, vector<1x1x64x512xf32>
    %get3A_4 = vector.shape_cast %get3A_3 : vector<1x1x64x512xf32> to vector<64x512xf32>
    %get3A_5 = arith.constant 1 : index
    %get3A_6 = arith.constant 0 : index
    %get3A_7 = arith.constant 0 : index
    %get3A_8 = arith.constant 0 : index
    %get3A_9 = vector.load %arg1[%get3A_5, %get3A_6, %get3A_7, %get3A_8] : memref<2x2x64x512xf32, #tpu.memory_space<vmem>>, vector<1x1x64x512xf32>
    %get3A_10 = vector.shape_cast %get3A_9 : vector<1x1x64x512xf32> to vector<64x512xf32>
    %add3A = arith.addf %get3A_4, %get3A_10 : vector<64x512xf32>
    %get3A_11 = arith.constant 0 : index
    %get3A_12 = arith.constant 1 : index
    %get3A_13 = arith.constant 0 : index
    %get3A_14 = arith.constant 0 : index
    %get3A_15 = vector.load %arg1[%get3A_11, %get3A_12, %get3A_13, %get3A_14] : memref<2x2x64x512xf32, #tpu.memory_space<vmem>>, vector<1x1x64x512xf32>
    %get3A_16 = vector.shape_cast %get3A_15 : vector<1x1x64x512xf32> to vector<64x512xf32>
    %get3A_17 = arith.constant 1 : index
    %get3A_18 = arith.constant 1 : index
    %get3A_19 = arith.constant 0 : index
    %get3A_20 = arith.constant 0 : index
    %get3A_21 = vector.load %arg1[%get3A_17, %get3A_18, %get3A_19, %get3A_20] : memref<2x2x64x512xf32, #tpu.memory_space<vmem>>, vector<1x1x64x512xf32>
    %get3A_22 = vector.shape_cast %get3A_21 : vector<1x1x64x512xf32> to vector<64x512xf32>
    %add3A_23 = arith.addf %get3A_16, %get3A_22 : vector<64x512xf32>
    %gt3A = arith.constant 0.000000e+00 : f32
    %gt3A_24 = vector.broadcast %gt3A : f32 to vector<64x512xf32>
    %gt3A_25 = arith.cmpf ogt, %add3A_23, %gt3A_24 : vector<64x512xf32>
    %div3A = arith.divf %add3A, %add3A_23 : vector<64x512xf32>
    %jit3A = arith.constant 0.000000e+00 : f32
    %broadcast_in_dim3A = vector.broadcast %jit3A : f32 to vector<64x512xf32>
    %select_n3A = arith.select %gt3A_25, %div3A, %broadcast_in_dim3A : vector<64x512xi1>, vector<64x512xf32>
    %swap3A = arith.constant 0 : index
    %swap3A_26 = arith.constant 0 : index
    %swap3A_27 = vector.load %arg2[%swap3A, %swap3A_26] : memref<64x512xf32, #tpu.memory_space<vmem>>, vector<64x512xf32>
    tpu.vector_store %arg2[%swap3A, %swap3A_26], %select_n3A {strides = array<i32>} : memref<64x512xf32, #tpu.memory_space<vmem>>, vector<64x512xf32>,
    return
  }
  func.func @transform_0(%arg0: i32) -> (i32, i32, i32, i32) {
    %c0_i32 = arith.constant 0 : i32
    %c0_i32_0 = arith.constant 0 : i32
    %c0_i32_1 = arith.constant 0 : i32
    %c0_i32_2 = arith.constant 0 : i32
    return %c0_i32, %c0_i32_0, %arg0, %c0_i32_1 : i32, i32, i32, i32
  }
  func.func @transform_1(%arg0: i32) -> (i32, i32) {
    %c0_i32 = arith.constant 0 : i32
    %c0_i32_0 = arith.constant 0 : i32
    return %arg0, %c0_i32 : i32, i32
  }
}

</mosaic_0001>

<sc_bundles>
// kernel: kernel.5.cloned.1.call-start
scs
__scs_entry_jumppad:
0x0: {  	(pc) =	sbr.rel $0x88, $3  }
0x1: {  	(tag) =	ssettag $0x0;
	lr =	simm.s32 $0x1  }
0x2: {  	[smem:$0x3FA0] =	sst lr;
	_ =	strace $0xD0000000  }
0x3: {  	_ = 	snop  }
0x4: {  	_ = 	snop  }
0x5: {  	_ = 	snop  }
0x6: {  	_ = 	snop  }
0x7: {  	_ = 	snop  }
__scs_overlays_trampoline_lowered:
0x8: {  	[smem:$0x3FAF] =	sst s0  }
0x9: {  	[smem:$0x3FB0] =	sst s1  }
0xa: {  	[smem:$0x3FB1] =	sst s2  }
0xb: {  	[smem:$0x3FB2] =	sst s3  }
0xc: {  	[smem:$0x3FB3] =	sst s4  }
0xd: {  	[smem:$0x3FB4] =	sst s5  }
0xe: {  	[smem:$0x3FB5] =	sst s6  }
0xf: {  	[smem:$0x3FB6] =	sst s7  }
0x10: {  	[smem:$0x3FB7] =	sst s8  }
0x11: {  	[smem:$0x3FB8] =	sst s9;
	s0 =	simm.s32 @!p0 $0x0  }
0x12: {  	s1 =	sld [smem:$0x3F9E];
	s0 =	simm.s32 @p0 $0x1  }
0x13: {  	[smem:$0x3FB9] =	sst s0;
	s0 =	simm.s32 @!p1 $0x0  }
0x14: {  	s2 =	sld [smem:$0x3F9D];
	s0 =	simm.s32 @p1 $0x1  }
0x15: {  	[smem:$0x3FBA] =	sst s0;
	s0 =	simm.s32 @!p2 $0x0  }
0x16: {  	s3 =	sld [smem:$0x3FDB];
	s0 =	simm.s32 @p2 $0x1  }
0x17: {  	s4 =	simm.s32 $0x1BF5;
	[smem:$0x3FBC] =	sst s0  }
0x18: {  	s0 =	sld [smem:$0x3F9F];
	_ =	swait.ge [sflag:s4], $0x0  }
0x19: {  	s7 =	sld [smem:$0x3FA0]  }
0x1a: {  	s8 =	sadd.s32 $0xFFFFE003, lr  }
0x1b: {  	s9 =	sadd.s32 $0xFFFFFEF7, lr;
	s5 =	simm.s32 $0xFFFFFFFF;
	p2 =	slt.u32 s8, $0xFFFFF086  }
0x1c: {  	p1 =	slt.u32 s9, $0xF7A;
	s5 =	simm.s32 @!p2 $0x0  }
0x1d: {  	s5 =	simm.s32 @p1 $0x1;
	p0 =	seq.s32 s7, s2  }
0x1e: {  	s7 =	smul.u32 @!p0 $0xF7A, s2;
	p2 =	seq.s32 @!p0 s5, $0x0  }
0x1f: {  	s9 =	smul.u32 $0xF7A, s1;
	s8 =	simm.s32 @!p0 $0x1BF5;
	p2 =	por !p2, p0  }
0x20: {  	[sflag:s8] =	ssyncset.s32 @!p0 $0xFFFFF086;
	s6 =	sadd.s32 @!p0 s3, s7;
	s7 =	simm.s32 @!p0 $0x108  }
0x21: {  	s3 =	sadd.s32 s3, s9;
	s6 =	sadd.s32 @!p0 $0x88, s6;
	s7 =	simm.s32 @p2 $0x1082  }
0x22: {  	[simem:s7], [sflag:s8] =	dma.local @!p0 [hbm:s6], $0xF7A  }
0x23: {  	s9 =	sor.u32 $0xD0000000, s2;
	s6 =	simm.s32 $0x108;
	_ =	swait.ge @!p0 [sflag:s8], $0x0  }
0x24: {  	s3 =	sadd.s32 $0x88, s3;
	s6 =	simm.s32 @!p1 $0x1082;
	[sflag:s4] =	ssyncset.s32 $0xFFFFF086  }
0x25: {  	[simem:s6], [sflag:s4] =	dma.local [hbm:s3], $0xF7A  }
0x26: {  	[smem:$0x3FA0] =	sst s1;
	(tag) =	ssettag s2;
	_ =	strace s9  }
0x27: {  	s1 =	sld [smem:$0x3FB0]  }
0x28: {  	s2 =	sld [smem:$0x3FB1]  }
0x29: {  	s4 =	sld [smem:$0x3FB3]  }
0x2a: {  	p0 =	seq.s32 s5, $0x0;
	s5 =	sld [smem:$0x3FB4]  }
0x2b: {  	s6 =	sld [smem:$0x3FB5]  }
0x2c: {  	s7 =	sld [smem:$0x3FB6]  }
0x2d: {  	s3 =	simm.s32 $0x108;
	s8 =	sld [smem:$0x3FB7]  }
0x2e: {  	s3 =	simm.s32 @!p0 $0x1082;
	s9 =	sld [smem:$0x3FB8]  }
0x2f: {  	lr =	sadd.s32 s0, s3;
	s0 =	sld [smem:$0x3FAF]  }
0x30: {  	s3 =	sld [smem:$0x3FB2]  }
0x31: {  	[smem:$0x3FBB] =	sst s10  }
0x32: {  	s10 =	sld [smem:$0x3FB9];
	_ =	sdelay $0x3  }
0x33: {  	p0 =	seq.s32 s10, $0x1;
	s10 =	sld [smem:$0x3FBB];
	_ =	sdelay $0x3  }
0x34: {  	[smem:$0x3FBB] =	sst s10  }
0x35: {  	s10 =	sld [smem:$0x3FBA];
	_ =	sdelay $0x3  }
0x36: {  	p1 =	seq.s32 s10, $0x1;
	s10 =	sld [smem:$0x3FBB];
	_ =	sdelay $0x3  }
0x37: {  	[smem:$0x3FBB] =	sst s10  }
0x38: {  	s10 =	sld [smem:$0x3FBC]  }
0x39: {  	_ = 	snop;
	(pc) =	sbr.ind lr, $3  }
0x3a: {  	_ = 	snop  }
0x3b: {  	_ = 	snop  }
0x3c: {  	p2 =	seq.s32 s10, $0x1;
	s10 =	sld [smem:$0x3FBB]  }
0x3d: {  	_ =	shalt  }
0x3e: {  	_ =	shalt  }
0x3f: {  	_ =	shalt  }
0x40: {  	_ =	shalt  }
0x41: {  	_ =	shalt  }
0x42: {  	_ =	shalt  }
0x43: {  	_ =	shalt  }
0x44: {  	_ =	shalt  }
0x45: {  	_ =	shalt  }
0x46: {  	_ =	shalt  }
0x47: {  	_ =	shalt  }
0x48: {  	_ =	shalt  }
0x49: {  	_ =	shalt  }
0x4a: {  	_ =	shalt  }
0x4b: {  	_ =	shalt  }
0x4c: {  	_ =	shalt  }
0x4d: {  	_ =	shalt  }
0x4e: {  	_ =	shalt  }
0x4f: {  	_ =	shalt  }
0x50: {  	_ =	shalt  }
0x51: {  	_ =	shalt  }
0x52: {  	_ =	shalt  }
0x53: {  	_ =	shalt  }
0x54: {  	_ =	shalt  }
0x55: {  	_ =	shalt  }
0x56: {  	_ =	shalt  }
0x57: {  	_ =	shalt  }
0x58: {  	_ =	shalt  }
0x59: {  	_ =	shalt  }
0x5a: {  	_ =	shalt  }
0x5b: {  	_ =	shalt  }
0x5c: {  	_ =	shalt  }
0x5d: {  	_ =	shalt  }
0x5e: {  	_ =	shalt  }
0x5f: {  	_ =	shalt  }
0x60: {  	_ =	shalt  }
0x61: {  	_ =	shalt  }
0x62: {  	_ =	shalt  }
0x63: {  	_ =	shalt  }
0x64: {  	_ =	shalt  }
0x65: {  	_ =	shalt  }
0x66: {  	_ =	shalt  }
0x67: {  	_ =	shalt  }
0x68: {  	_ =	shalt  }
0x69: {  	_ =	shalt  }
0x6a: {  	_ =	shalt  }
0x6b: {  	_ =	shalt  }
0x6c: {  	_ =	shalt  }
0x6d: {  	_ =	shalt  }
0x6e: {  	_ =	shalt  }
0x6f: {  	_ =	shalt  }
0x70: {  	_ =	shalt  }
0x71: {  	_ =	shalt  }
0x72: {  	_ =	shalt  }
0x73: {  	_ =	shalt  }
0x74: {  	_ =	shalt  }
0x75: {  	_ =	shalt  }
0x76: {  	_ =	shalt  }
0x77: {  	_ =	shalt  }
0x78: {  	_ =	shalt  }
0x79: {  	_ =	shalt  }
0x7a: {  	_ =	shalt  }
0x7b: {  	_ =	shalt  }
0x7c: {  	_ =	shalt  }
0x7d: {  	_ =	shalt  }
0x7e: {  	_ =	shalt  }
0x7f: {  	_ =	shalt  }
0x80: {  	_ =	shalt  }
0x81: {  	_ =	shalt  }
0x82: {  	_ =	shalt  }
0x83: {  	_ =	shalt  }
0x84: {  	_ =	shalt  }
0x85: {  	_ =	shalt  }
0x86: {  	_ =	shalt  }
0x87: {  	_ =	shalt  }
.Lfunc_end0:
.L_simem_size_0:
called_computation_lowered:
.L_overlay_start_0:
0x88: {  	s2 =	sld [smem:$0x3FD9]  }
0x89: {  	s3 =	sld [smem:$0x3FFE];
	_ =	sdelay $0x1  }
0x8a: {  	s1 =	srdreg.scid  }
0x8b: {  	s0 =	sand.u32 $0x1, s1  }
0x8c: {  	s17 =	sshll.u32 s0, $0xA;
	s2 =	sadd.s32 s3, s2  }
0x8d: {  	s2 =	sadd.s32 s2, s17  }
0x8e: {  	[smem:$0x3FC7] =	sst s2  }
0x8f: {  	_ = 	snop  }
0x90: {  	s2 =	sld [smem:$0x3FD0];
	(tm) =	ssettm $0x1  }
0x91: {  	s18 =	sld [smem:$0x3FFB];
	_ =	sdelay $0x3  }
0x92: {  	_ =	strace s18  }
0x93: {  	s3 =	sld [smem:$0x3FFC];
	_ =	sdelay $0x3  }
0x94: {  	_ =	strace s3  }
0x95: {  	s3 =	sld [smem:$0x3FFD];
	_ =	sdelay $0x3  }
0x96: {  	_ =	strace s3  }
0x97: {  	_ =	strace $0x8FFFFFFF  }
0x98: {  	s19 =	sld [smem:$0x3FDB];
	_ =	sdelay $0x1  }
0x99: {  	s4 =	simm.s32 $_scs_section_size  }
0x9a: {  	s5 =	simm.s32 $_size__tile_overlayer_lowered;
	s6 =	simm.s32 $_tile_overlayer_lowered  }
0x9b: {  	s22 =	simm.s32 $0x1BFF;
	s21 =	sshll.u32 s6, $0x1;
	s3 =	sadd.s32 s4, s19  }
0x9c: {  	s7 =	simm.s32 $0x0;
	s20 =	sshll.u32 s5, $0x1;
	s5 =	sadd.s32 s21, s3  }
0x9d: {  	[timem:s7], [sflag:s22] =	dma.local [hbm:s5], s20  }
0x9e: {  	_ =	swait.ge [sflag:s22], s20  }
0x9f: {  	s4 =	ssub.s32 $0x0, s20;
	[sflag:s22] =	ssyncset.done $0x0  }
0xa0: {  	[sflag:s22] =	ssyncadd.s32 s4;
	_ =	sdelay $0x1  }
0xa1: {  	s23 =	simm.s32 $0x1B8B  }
0xa2: {  	_ =	swait.ge [sflag:s23], $0x1  }
0xa3: {  	[sflag:s23] =	ssyncset.done $0x0  }
0xa4: {  	s25 =	simm.s32 $0x1B8E;
	s24 =	sld [smem:$0x3FFE];
	[sflag:s23] =	ssyncadd.s32 $0xFFFFFFFF  }
0xa5: {  	s26 =	simm.s32 $execute0_lowered;
	[smem:$0x3FD2] =	sst s25  }
0xa6: {  	s5 =	sshll.u32 s26, $0x1;
	_ =	strace $0x80000046;
	[dreg:$0x1] =	wrdreg $0xFFFFFFFF  }
0xa7: {  	s28 =	simm.s32 $_size_execute0_lowered;
	s3 =	sadd.s32 s3, s5;
	[dreg:$0x0] =	wrdreg $0x0  }
0xa8: {  	s5 =	sshll.u32 s28, $0x1;
	[dreg:$0x2] =	wrdreg s3  }
0xa9: {  	[dreg:$0x3] =	wrdreg s5  }
0xaa: {  	[dreg:$0x4] =	wrdreg $0xC0  }
0xab: {  	_ =	task [dreg:s7], $0x5FFFF  }
0xac: {  	[dreg:$0x1] =	wrdreg $0xFFFFFFFF  }
0xad: {  	[dreg:$0x0] =	wrdreg $0x60  }
0xae: {  	[dreg:$0x2] =	wrdreg s24  }
0xaf: {  	[dreg:$0x3] =	wrdreg s2  }
0xb0: {  	[dreg:$0x4] =	wrdreg $0x14A800  }
0xb1: {  	[dreg:$0x5] =	wrdreg $0x18A800  }
0xb2: {  	[dreg:$0x6] =	wrdreg $0x9  }
0xb3: {  	_ =	task.clear_ibuf [dreg:s7], $0x7FFFF;
	_ =	strace $0x90000046  }
0xb4: {  	s29 =	simm.s32 $0x9;
	_ =	strace $0x80000048  }
0xb5: {  	_ =	swait.ge [sflag:s29], $0x1  }
0xb6: {  	[sflag:s29] =	ssyncadd.s32 $0xFFFFFFFF  }
0xb7: {  	_ =	strace $0x90000048  }
0xb8: {  	_ =	sfence  }
0xb9: {  	s30 =	sld [smem:$0x0];
	_ =	sdelay $0x2  }
0xba: {  	s31 =	sshll.u32 s1, $0xD;
	s1 =	sshrl.u32 s1, $0x2  }
0xbb: {  	s3 =	sand.u32 $0x4000, s31;
	s1 =	sadd.s32 s1, s30  }
0xbc: {  	s0 =	sor.u32 s3, s0;
	s1 =	sshll.u32 s1, $0x11  }
0xbd: {  	s0 =	sor.u32 s1, s0  }
0xbe: {  	s0 =	sadd.s32 $0x8F2B, s0  }
0xbf: {  	[sflag:s0] =	ssyncadd.remote.s32 $0x1  }
0xc0: {  	_ =	sfence.sel $0xFFFF  }
0xc1: {  	[dreg:$0x0] =	wrdreg $0xFFFFFFFF;
	(pc) =	sbr.abs _section_cstart, $3  }
0xc2: {  	[dreg:$0x1] =	wrdreg $0xFFFFFFFF  }
0xc3: {  	_ =	task.clear_ibuf [dreg:s7], $0x2FFFF;
	_ =	strace $0x9FFFFFFF  }
0xc4: {  	(tm) =	ssettm $0x7FFFFFFF  }
0xc5: {  	_ =	shalt  }
tec
execute0_lowered:
.L_overlay_start_1:
0x0: {  	(tag) =	ssettag $0x1  }
0x1: {  	s0 =	rddreg [dreg:$0x0]  }
0x2: {  	s2 =	rddreg [dreg:$0x2]  }
0x3: {  	s3 =	rddreg [dreg:$0x3]  }
0x4: {  	s1 =	srdreg.scid;
	s5 =	simm.s32 $0x0;
	s9 =	stileid.u32  }
0x5: {  	s14 =	simm.s32 $0x10A80;
	s15 =	simm.s32 $0x5;
	s17 =	simm.s32 $0x3  }
0x6: {  	s18 =	simm.s32 $0xC80;
	s19 =	simm.s32 $0xCC00;
	s20 =	simm.s32 $0xD880  }
0x7: {  	s21 =	simm.s32 $0xFE00;
	s22 =	simm.s32 $0x4;
	s23 =	simm.s32 $0xE500  }
0x8: {  	s24 =	simm.s32 $0xF180;
	s29 =	simm.s32 $0x100;
	s30 =	simm.s32 $0x0  }
0x9: {  	s6 =	sand.u32 $0x1, s1;
	[smem:$0x7FF] =	sst s5;
	s25 =	sshll.u32 s9, $0xC  }
0xa: {  	s7 =	sadd.s32 $0x800, s0;
	s8 =	sshll.u32 s9, $0x1;
	s31 =	sshll.u32 s9, $0xE  }
.Ltmp0:
0xb: {  	s4 =	sshll.u32 s6, $0x10;
	_ =	strace $0x80000047;
	(pc) =	sbr.rel .LBB2_1-.Ltmp0, $4  }
0xc: {  	s26 =	ssub.s32 $0x2, s6;
	s9 =	sadd.s32 s31, s2;
	s10 =	sadd.s32 s31, s3  }
0xd: {  	s1 =	sor.u32 s25, s4;
	s28 =	sshrl.u32 s26, $0x1;
	s25 =	simm.s32 $0x1  }
0xe: {  	s0 =	sadd.s32 s1, s0;
	s1 =	ssub.s32 s26, s28;
	s26 =	simm.s32 $0x2  }
0xf: {  	v0 =	vimm.f32 $0.0e+00;
	v1 =	vimm.f32 $1.000000000e+00;
	s11 =	sadd.s32 $0x1EA800, s0;
	s12 =	sadd.s32 $0x1EA810, s0;
	s13 =	smax.u32 s1, $0x1  }
.LBB2_13:
0x10: {  	_ =	swait.ge [sflag:s25], $0xC80  }
0x11: {  	[sflag:s25] =	ssyncset.done $0x0  }
0x12: {  	[sflag:s25] =	ssyncadd.s32 $0xFFFFF380  }
0x13: {  	_ =	swait.ge [sflag:s25], $0xC80  }
0x14: {  	[sflag:s25] =	ssyncset.done $0x0  }
0x15: {  	[sflag:s25] =	ssyncadd.s32 $0xFFFFF380  }
0x16: {  	_ =	swait.ge [sflag:s26], $0xC80  }
0x17: {  	[sflag:s26] =	ssyncset.done $0x0  }
0x18: {  	[sflag:s26] =	ssyncadd.s32 $0xFFFFF380  }
0x19: {  	_ =	swait.ge [sflag:s26], $0xC80  }
0x1a: {  	[sflag:s26] =	ssyncset.done $0x0  }
0x1b: {  	[sflag:s26] =	ssyncadd.s32 $0xFFFFF380  }
0x1c: {  	[bflag:$0x0] =	sbarrier.arrive $0xFFFF  }
0x1d: {  	[tilespmem:s14], [sflag:$0x5] =	stream.linear.gather [spmem:s9], $0x4000, $0x38;
	[tilespmem:$0x1CA80] =	vst v63  }
0x1e: {  	_ =	swait.ge [sflag:s15], $0x4000  }
0x1f: {  	[sflag:s15] =	ssyncset.done $0x0  }
0x20: {  	s0 =	simm.s32 $0x80;
	[sflag:s15] =	ssyncadd.s32 $0xFFFFC000  }
0x21: {  	[hbm4b:s11+s0] =	stream.strided.scatter [tilespmem:s14], [sflag:$0x5], $0x4000, s29, s0, $0x38;
	[tilespmem:$0x1CA80] =	vst v63  }
0x22: {  	_ =	swait.ge [sflag:s15], $0x4000  }
0x23: {  	[sflag:s15] =	ssyncset.done $0x0  }
0x24: {  	[sflag:s15] =	ssyncadd.s32 $0xFFFFC000  }
0x25: {  	[tilespmem:s14], [sflag:$0x5] =	stream.linear.gather [spmem:s10], $0x4000, $0x38;
	[tilespmem:$0x1CA80] =	vst v63  }
0x26: {  	s30 =	sadd.s32 $0x1, s30;
	_ =	swait.ge [sflag:s15], $0x4000  }
0x27: {  	p0 =	sne.s32 s30, s13;
	[sflag:s15] =	ssyncset.done $0x0  }
.Ltmp1:
0x28: {  	[sflag:s15] =	ssyncadd.s32 $0xFFFFC000;
	(pc) =	sbr.rel @!p0 .LBB2_14-.Ltmp1, $4  }
0x29: {  	[hbm4b:s12+s0] =	stream.strided.scatter [tilespmem:s14], [sflag:$0x5], $0x4000, s29, s0, $0x38;
	[tilespmem:$0x1CA80] =	vst v63  }
0x2a: {  	_ =	swait.ge [sflag:s15], $0x4000  }
0x2b: {  	[sflag:s15] =	ssyncset.done $0x0  }
0x2c: {  	[sflag:s15] =	ssyncadd.s32 $0xFFFFC000  }
.LBB2_1:
0x2d: {  	s0 =	simm.s32 $0x40;
	s1 =	simm.s32 $0x0  }
.LBB2_2:
0x2e: {  	p0 =	sne.s32 s0, $0xFFC0;
	[tilespmem:s1+$0x10A80] =	vst v0;
	s1 =	smov.u32 s0;
	s0 =	sadd.s32 $0x40, s0  }
.Ltmp2:
0x2f: {  	(pc) =	sbr.rel @p0 .LBB2_2-.Ltmp2, $2  }
0x30: {  	_ =	sdelay $0x2  }
0x31: {  	s1 =	sshra.s32 s1, $0x2  }
0x32: {  	[tilespmem:s1+$0x10A80] =	vst v0  }
0x33: {  	[spmem:s9] =	stream.linear.scatter [tilespmem:s14], [sflag:$0x5], $0x4000, $0x38;
	[tilespmem:$0x1CA80] =	vst v63  }
0x34: {  	_ =	swait.ge [sflag:s15], $0x4000  }
0x35: {  	[sflag:s15] =	ssyncset.done $0x0  }
0x36: {  	[sflag:s15] =	ssyncadd.s32 $0xFFFFC000  }
0x37: {  	[spmem:s10] =	stream.linear.scatter [tilespmem:s14], [sflag:$0x5], $0x4000, $0x38;
	[tilespmem:$0x1CA80] =	vst v63  }
0x38: {  	_ =	swait.ge [sflag:s15], $0x4000  }
0x39: {  	[sflag:s15] =	ssyncset.done $0x0  }
0x3a: {  	[sflag:s15] =	ssyncadd.s32 $0xFFFFC000  }
0x3b: {  	s0 =	simm.s32 $0x0;
	s4 =	simm.s32 $0xC800;
	s31 =	rddreg [dreg:$0x1]  }
0x3c: {  	[tilespmem:s4], [sflag:$0x5] =	stream.linear.gather [hbm4b:s31+s0], $0x400, $0x38;
	[tilespmem:$0x1CA80] =	vst v63  }
0x3d: {  	_ =	swait.ge [sflag:s15], $0x400  }
0x3e: {  	[sflag:s15] =	ssyncset.done $0x0  }
0x3f: {  	[sflag:s15] =	ssyncadd.s32 $0xFFFFFC00  }
0x40: {  	v2 =	vld [tilespmem:$0xC800]  }
0x41: {  	v3 =	vld [tilespmem:$0xC880]  }
0x42: {  	v4 =	vld [tilespmem:$0xC900]  }
0x43: {  	v6 =	vld [tilespmem:$0xCA00]  }
0x44: {  	v7 =	vld [tilespmem:$0xCA80]  }
0x45: {  	s1 =	simm.s32 $0x0;
	s0 =	simm.s32 $0x40;
	v5 =	vld [tilespmem:$0xCB00]  }
.LBB2_4:
0x46: {  	p0 =	sne.s32 s0, $0x31C0;
	[tilespmem:s1+$0xFE00] =	vst v1;
	s1 =	smov.u32 s0;
	s0 =	sadd.s32 $0x40, s0  }
.Ltmp3:
0x47: {  	(pc) =	sbr.rel @p0 .LBB2_4-.Ltmp3, $2  }
0x48: {  	_ =	sdelay $0x2  }
0x49: {  	s1 =	sshra.s32 s1, $0x2  }
0x4a: {  	[tilespmem:s1+$0xFE00] =	vst v1;
	v6 =	vsub.f32 v6, v2  }
0x4b: {  	v7 =	vsub.f32 v7, v3;
	[bflag:$0x0] =	sbarrier.arrive $0xFFFF  }
0x4c: {  	v5 =	vsub.f32 v5, v4;
	(erf) = vrcp.f32 v6  }
0x4d: {  	(erf) = vrcp.f32 v7  }
0x4e: {  	(erf) = vrcp.f32 v5;
	_ =	sdelay $0x4  }
.Ltmp4:
0x4f: {  	_ = 	snop;
	(pc) =	sbr.rel .LBB2_6-.Ltmp4, $4  }
0x50: {  	_ = 	snop  }
0x51: {  	v5 =	vpop (erf)  }
0x52: {  	v6 =	vpop (erf)  }
0x53: {  	s31 =	simm.s32 $0x0;
	v7 =	vpop (erf)  }
.LBB2_12:
0x54: {  	s31 =	sadd.s32 $0x1, s31  }
0x55: {  	p0 =	sne.s32 s31, $0xA  }
.Ltmp5:
0x56: {  	_ = 	snop;
	(pc) =	sbr.rel @!p0 .LBB2_13-.Ltmp5, $1  }
0x57: {  	_ =	sdelay $0x3  }
.LBB2_6:
0x58: {  	s0 =	sshll.u32 s31, $0x6  }
0x59: {  	s0 =	sor.u32 s0, s8  }
0x5a: {  	s0 =	sor.u32 s6, s0  }
0x5b: {  	s1 =	sor.u32 $0x20, s0;
	s0 =	smul.u32 $0xC80, s0  }
0x5c: {  	p1 =	sgt.u32 s1, $0x270  }
0x5d: {  	s0 =	sadd.s32 s7, s0;
	s1 =	smul.u32 @!p1 $0xC80, s1  }
0x5e: {  	[tilespmem:s5], [sflag:$0x3] =	stream.linear.gather [hbm4b:s0+s5], $0x6400, $0x38;
	[tilespmem:$0x1CA80] =	vst v63  }
0x5f: {  	s4 =	simm.s32 @!p1 $0x6400;
	s0 =	sadd.s32 @!p1 s7, s1;
	s1 =	simm.s32 @!p1 $0x0  }
0x60: {  	[tilespmem:s4], [sflag:$0x4] =	stream.linear.gather @!p1 [hbm4b:s0+s1], $0x6400, $0x38;
	[tilespmem:$0x1CA80] =	vst v63  }
0x61: {  	_ =	swait.ge [sflag:s17], $0x6400  }
0x62: {  	p0 =	seq.s32 s31, $0x0;
	[sflag:s17] =	ssyncset.done $0x0  }
0x63: {  	s0 =	simm.s32 @!p0 $0x1;
	[sflag:s17] =	ssyncadd.s32 $0xFFFF9C00  }
0x64: {  	_ =	swait.ge @!p0 [sflag:s0], $0xC80  }
0x65: {  	[sflag:s0] =	ssyncset.done @!p0 $0x0  }
0x66: {  	[sflag:s0] =	ssyncadd.s32 @!p0 $0xFFFFF380  }
0x67: {  	_ =	swait.ge @!p0 [sflag:s0], $0xC80  }
0x68: {  	[sflag:s0] =	ssyncset.done @!p0 $0x0  }
0x69: {  	s1 =	simm.s32 $0xC0;
	[sflag:s0] =	ssyncadd.s32 @!p0 $0xFFFFF380  }
0x6a: {  	v8 =	vld [tilespmem:s1+$0xFFFFFFC0]  }
0x6b: {  	v9 =	vld [tilespmem:s1+$0xFFFFFF40];
	_ =	sdelay $0x3  }
0x6c: {  	v8 =	vsub.f32 v8, v3  }
0x6d: {  	v9 =	vsub.f32 v9, v2  }
0x6e: {  	v8 =	vmul.f32 $5.110000000e+02, v8  }
0x6f: {  	v10 =	vld [tilespmem:s1+$0x40];
	v9 =	vmul.f32 $5.110000000e+02, v9  }
0x70: {  	v8 =	vmul.f32 v8, v6  }
0x71: {  	v9 =	vmul.f32 v9, v5  }
0x72: {  	v8 =	vtrunc.f32 v8  }
0x73: {  	v9 =	vtrunc.f32 v9;
	v8 =	vcvt.f32.s32 v8  }
0x74: {  	v10 =	vsub.f32 v10, v4;
	v9 =	vcvt.f32.s32 v9  }
0x75: {  	v8 =	vshll.u32 v8, $0x9  }
0x76: {  	v10 =	vmul.f32 $2.550000000e+02, v10;
	v8 =	vsub.s32 v9, v8  }
0x77: {  	v8 =	vadd.s32 $0x3FE00, v8  }
0x78: {  	v9 =	vmul.f32 v10, v7;
	vm0 =	vgt.s32 v8, $0x0  }
0x79: {  	s0 =	simm.s32 $0x0;
	v8 =	vnsel vm0, $0x0, v8  }
0x7a: {  	[tilespmem:s0+$0xD880] =	vst v9;
	v8 =	vmin.u32 v8, $0x3FFFF  }
0x7b: {  	[tilespmem:s0+$0xCC00] =	vst v8  }
0x7c: {  	v8 =	vld [tilespmem:s1+$0xFFFFFFD0]  }
0x7d: {  	v9 =	vld [tilespmem:s1+$0xFFFFFF50];
	_ =	sdelay $0x3  }
0x7e: {  	v8 =	vsub.f32 v8, v3  }
0x7f: {  	v9 =	vsub.f32 v9, v2  }
0x80: {  	v8 =	vmul.f32 $5.110000000e+02, v8  }
0x81: {  	v10 =	vld [tilespmem:s1+$0x50];
	v9 =	vmul.f32 $5.110000000e+02, v9  }
0x82: {  	v8 =	vmul.f32 v8, v6  }
0x83: {  	v9 =	vmul.f32 v9, v5  }
0x84: {  	v8 =	vtrunc.f32 v8  }
0x85: {  	v9 =	vtrunc.f32 v9;
	v8 =	vcvt.f32.s32 v8  }
0x86: {  	v10 =	vsub.f32 v10, v4;
	v9 =	vcvt.f32.s32 v9  }
0x87: {  	v8 =	vshll.u32 v8, $0x9  }
0x88: {  	v8 =	vsub.s32 v9, v8;
	v9 =	vmul.f32 $2.550000000e+02, v10  }
0x89: {  	v8 =	vadd.s32 $0x3FE00, v8  }
0x8a: {  	vm15 =	vgt.s32 v8, $0x0;
	v9 =	vmul.f32 v9, v7  }
0x8b: {  	v8 =	vnsel vm15, $0x0, v8  }
0x8c: {  	v8 =	vmin.u32 v8, $0x3FFFF;
	[tilespmem:s0+$0xD890] =	vst v9  }
0x8d: {  	[tilespmem:s0+$0xCC10] =	vst v8  }
0x8e: {  	v8 =	vld [tilespmem:s1+$0xFFFFFFE0];
	_ =	sdelay $0x1  }
0x8f: {  	v9 =	vld [tilespmem:s1+$0xFFFFFF60];
	_ =	sdelay $0x2  }
0x90: {  	v8 =	vsub.f32 v8, v3;
	_ =	sdelay $0x1  }
0x91: {  	v9 =	vsub.f32 v9, v2;
	v11 =	vmul.f32 $5.110000000e+02, v8;
	_ =	sdelay $0x1  }
0x92: {  	s16 =	simm.s32 $0x200;
	s4 =	simm.s32 $0xC0;
	v10 =	vmul.f32 $5.110000000e+02, v9;
	v8 =	vld [tilespmem:s1+$0x60];
	v9 =	vmul.f32 v11, v6  }
.LBB2_7:
0x93: {  	p2 =	sne.s32 s16, $0x3000  }
0x94: {  	v10 =	vmul.f32 v10, v5;
	s1 =	sadd.s32 $0x400, s1;
	s28 =	smov.u32 s16;
	s16 =	sadd.s32 $0x200, s16  }
0x95: {  	v9 =	vtrunc.f32 v9  }
0x96: {  	v10 =	vtrunc.f32 v10;
	v9 =	vcvt.f32.s32 v9  }
0x97: {  	v10 =	vcvt.f32.s32 v10  }
0x98: {  	v9 =	vshll.u32 v9, $0x9;
	v8 =	vsub.f32 v8, v4  }
0x99: {  	v9 =	vsub.s32 v10, v9  }
0x9a: {  	v9 =	vadd.s32 $0x3FE00, v9;
	v8 =	vmul.f32 $2.550000000e+02, v8  }
0x9b: {  	vm0 =	vgt.s32 v9, $0x0  }
0x9c: {  	v9 =	vnsel vm0, $0x0, v9;
	v8 =	vmul.f32 v8, v7  }
0x9d: {  	v9 =	vmin.u32 v9, $0x3FFFF  }
0x9e: {  	[tilespmem:s0+$0xCC20] =	vst v9  }
0x9f: {  	[tilespmem:s0+$0xD8A0] =	vst v8  }
0xa0: {  	v8 =	vld [tilespmem:s4+$0xFFFFFFF0]  }
0xa1: {  	v9 =	vld [tilespmem:s4+$0xFFFFFF70]  }
0xa2: {  	v10 =	vld [tilespmem:s4+$0x70];
	_ =	sdelay $0x2  }
0xa3: {  	v8 =	vsub.f32 v8, v3  }
0xa4: {  	v9 =	vsub.f32 v9, v2  }
0xa5: {  	v8 =	vmul.f32 $5.110000000e+02, v8;
	v10 =	vsub.f32 v10, v4  }
0xa6: {  	v9 =	vmul.f32 $5.110000000e+02, v9  }
0xa7: {  	v8 =	vmul.f32 v8, v6;
	v10 =	vmul.f32 $2.550000000e+02, v10  }
0xa8: {  	v9 =	vmul.f32 v9, v5  }
0xa9: {  	v8 =	vtrunc.f32 v8;
	v10 =	vmul.f32 v10, v7  }
0xaa: {  	v9 =	vtrunc.f32 v9;
	v8 =	vcvt.f32.s32 v8  }
0xab: {  	v9 =	vcvt.f32.s32 v9;
	[tilespmem:s0+$0xD8B0] =	vst v10  }
0xac: {  	v8 =	vshll.u32 v8, $0x9  }
0xad: {  	v8 =	vsub.s32 v9, v8  }
0xae: {  	v8 =	vadd.s32 $0x3FE00, v8  }
0xaf: {  	vm0 =	vgt.s32 v8, $0x0  }
0xb0: {  	v8 =	vnsel vm0, $0x0, v8  }
0xb1: {  	v8 =	vmin.u32 v8, $0x3FFFF  }
0xb2: {  	[tilespmem:s0+$0xCC30] =	vst v8  }
0xb3: {  	v8 =	vld [tilespmem:s4+$0x0]  }
0xb4: {  	v9 =	vld [tilespmem:s4+$0xFFFFFF80]  }
0xb5: {  	v10 =	vld [tilespmem:s4+$0x80];
	_ =	sdelay $0x2  }
0xb6: {  	v8 =	vsub.f32 v8, v3  }
0xb7: {  	v9 =	vsub.f32 v9, v2  }
0xb8: {  	v8 =	vmul.f32 $5.110000000e+02, v8;
	v10 =	vsub.f32 v10, v4  }
0xb9: {  	v9 =	vmul.f32 $5.110000000e+02, v9  }
0xba: {  	v8 =	vmul.f32 v8, v6;
	v10 =	vmul.f32 $2.550000000e+02, v10  }
0xbb: {  	v9 =	vmul.f32 v9, v5  }
0xbc: {  	v8 =	vtrunc.f32 v8;
	v10 =	vmul.f32 v10, v7  }
0xbd: {  	v9 =	vtrunc.f32 v9;
	v8 =	vcvt.f32.s32 v8  }
0xbe: {  	v9 =	vcvt.f32.s32 v9;
	[tilespmem:s0+$0xD8C0] =	vst v10  }
0xbf: {  	v8 =	vshll.u32 v8, $0x9  }
0xc0: {  	v8 =	vsub.s32 v9, v8  }
0xc1: {  	v8 =	vadd.s32 $0x3FE00, v8  }
0xc2: {  	vm0 =	vgt.s32 v8, $0x0  }
0xc3: {  	v8 =	vnsel vm0, $0x0, v8  }
0xc4: {  	v8 =	vmin.u32 v8, $0x3FFFF  }
0xc5: {  	[tilespmem:s0+$0xCC40] =	vst v8  }
0xc6: {  	v8 =	vld [tilespmem:s4+$0x10]  }
0xc7: {  	v9 =	vld [tilespmem:s4+$0xFFFFFF90]  }
0xc8: {  	v10 =	vld [tilespmem:s4+$0x90];
	_ =	sdelay $0x2  }
0xc9: {  	v8 =	vsub.f32 v8, v3  }
0xca: {  	v9 =	vsub.f32 v9, v2  }
0xcb: {  	v8 =	vmul.f32 $5.110000000e+02, v8;
	v10 =	vsub.f32 v10, v4  }
0xcc: {  	v9 =	vmul.f32 $5.110000000e+02, v9  }
0xcd: {  	v8 =	vmul.f32 v8, v6;
	v10 =	vmul.f32 $2.550000000e+02, v10  }
0xce: {  	v9 =	vmul.f32 v9, v5  }
0xcf: {  	v8 =	vtrunc.f32 v8;
	v10 =	vmul.f32 v10, v7  }
0xd0: {  	v9 =	vtrunc.f32 v9;
	v8 =	vcvt.f32.s32 v8  }
0xd1: {  	v9 =	vcvt.f32.s32 v9;
	[tilespmem:s0+$0xD8D0] =	vst v10  }
0xd2: {  	v8 =	vshll.u32 v8, $0x9  }
0xd3: {  	v8 =	vsub.s32 v9, v8  }
0xd4: {  	v8 =	vadd.s32 $0x3FE00, v8  }
0xd5: {  	vm0 =	vgt.s32 v8, $0x0  }
0xd6: {  	v8 =	vnsel vm0, $0x0, v8  }
0xd7: {  	v8 =	vmin.u32 v8, $0x3FFFF  }
0xd8: {  	[tilespmem:s0+$0xCC50] =	vst v8  }
0xd9: {  	v8 =	vld [tilespmem:s4+$0x20]  }
0xda: {  	v9 =	vld [tilespmem:s4+$0xFFFFFFA0]  }
0xdb: {  	v10 =	vld [tilespmem:s4+$0xA0];
	_ =	sdelay $0x2  }
0xdc: {  	v8 =	vsub.f32 v8, v3  }
0xdd: {  	v9 =	vsub.f32 v9, v2  }
0xde: {  	v8 =	vmul.f32 $5.110000000e+02, v8;
	v10 =	vsub.f32 v10, v4  }
0xdf: {  	v9 =	vmul.f32 $5.110000000e+02, v9  }
0xe0: {  	v8 =	vmul.f32 v8, v6;
	v10 =	vmul.f32 $2.550000000e+02, v10  }
0xe1: {  	v9 =	vmul.f32 v9, v5  }
0xe2: {  	v8 =	vtrunc.f32 v8;
	v10 =	vmul.f32 v10, v7  }
0xe3: {  	v9 =	vtrunc.f32 v9;
	v8 =	vcvt.f32.s32 v8  }
0xe4: {  	v9 =	vcvt.f32.s32 v9;
	[tilespmem:s0+$0xD8E0] =	vst v10  }
0xe5: {  	v8 =	vshll.u32 v8, $0x9  }
0xe6: {  	v8 =	vsub.s32 v9, v8  }
0xe7: {  	v8 =	vadd.s32 $0x3FE00, v8  }
0xe8: {  	vm0 =	vgt.s32 v8, $0x0  }
0xe9: {  	v8 =	vnsel vm0, $0x0, v8  }
0xea: {  	v8 =	vmin.u32 v8, $0x3FFFF  }
0xeb: {  	[tilespmem:s0+$0xCC60] =	vst v8  }
0xec: {  	v8 =	vld [tilespmem:s4+$0x30]  }
0xed: {  	v9 =	vld [tilespmem:s4+$0xFFFFFFB0]  }
0xee: {  	v10 =	vld [tilespmem:s4+$0xB0];
	s4 =	smov.u32 s1;
	_ =	sdelay $0x2  }
0xef: {  	v8 =	vsub.f32 v8, v3  }
0xf0: {  	v9 =	vsub.f32 v9, v2  }
0xf1: {  	v8 =	vmul.f32 $5.110000000e+02, v8;
	v10 =	vsub.f32 v10, v4  }
0xf2: {  	v9 =	vmul.f32 $5.110000000e+02, v9  }
0xf3: {  	v8 =	vmul.f32 v8, v6;
	v10 =	vmul.f32 $2.550000000e+02, v10  }
0xf4: {  	v9 =	vmul.f32 v9, v5  }
0xf5: {  	v8 =	vtrunc.f32 v8;
	v10 =	vmul.f32 v10, v7  }
0xf6: {  	v9 =	vtrunc.f32 v9;
	v8 =	vcvt.f32.s32 v8  }
0xf7: {  	v9 =	vcvt.f32.s32 v9;
	[tilespmem:s0+$0xD8F0] =	vst v10  }
0xf8: {  	v8 =	vshll.u32 v8, $0x9  }
0xf9: {  	v8 =	vsub.s32 v9, v8  }
0xfa: {  	v8 =	vadd.s32 $0x3FE00, v8  }
0xfb: {  	vm0 =	vgt.s32 v8, $0x0  }
0xfc: {  	v8 =	vnsel vm0, $0x0, v8  }
0xfd: {  	v8 =	vmin.u32 v8, $0x3FFFF  }
0xfe: {  	[tilespmem:s0+$0xCC70] =	vst v8  }
0xff: {  	v8 =	vld [tilespmem:s1+$0xFFFFFFC0]  }
0x100: {  	v9 =	vld [tilespmem:s1+$0xFFFFFF40];
	_ =	sdelay $0x3  }
0x101: {  	v10 =	vld [tilespmem:s1+$0x40];
	v8 =	vsub.f32 v8, v3  }
0x102: {  	v9 =	vsub.f32 v9, v2  }
0x103: {  	v8 =	vmul.f32 $5.110000000e+02, v8  }
0x104: {  	v9 =	vmul.f32 $5.110000000e+02, v9  }
0x105: {  	v8 =	vmul.f32 v8, v6  }
0x106: {  	v9 =	vmul.f32 v9, v5;
	v10 =	vsub.f32 v10, v4  }
0x107: {  	v8 =	vtrunc.f32 v8  }
0x108: {  	v9 =	vtrunc.f32 v9;
	v8 =	vcvt.f32.s32 v8  }
0x109: {  	v10 =	vmul.f32 $2.550000000e+02, v10;
	v9 =	vcvt.f32.s32 v9  }
0x10a: {  	v8 =	vshll.u32 v8, $0x9  }
0x10b: {  	v8 =	vsub.s32 v9, v8;
	v9 =	vmul.f32 v10, v7  }
0x10c: {  	v8 =	vadd.s32 $0x3FE00, v8  }
0x10d: {  	vm0 =	vgt.s32 v8, $0x0  }
0x10e: {  	s0 =	sshra.s32 s28, $0x2;
	v8 =	vnsel vm0, $0x0, v8  }
0x10f: {  	v8 =	vmin.u32 v8, $0x3FFFF;
	[tilespmem:s0+$0xD880] =	vst v9  }
0x110: {  	[tilespmem:s0+$0xCC00] =	vst v8  }
0x111: {  	v8 =	vld [tilespmem:s1+$0xFFFFFFD0]  }
0x112: {  	v9 =	vld [tilespmem:s1+$0xFFFFFF50];
	_ =	sdelay $0x3  }
0x113: {  	v8 =	vsub.f32 v8, v3  }
0x114: {  	v9 =	vsub.f32 v9, v2  }
0x115: {  	v8 =	vmul.f32 $5.110000000e+02, v8  }
0x116: {  	v9 =	vmul.f32 $5.110000000e+02, v9  }
0x117: {  	v10 =	vld [tilespmem:s1+$0x50];
	v8 =	vmul.f32 v8, v6  }
0x118: {  	v9 =	vmul.f32 v9, v5  }
0x119: {  	v8 =	vtrunc.f32 v8  }
0x11a: {  	v9 =	vtrunc.f32 v9;
	v8 =	vcvt.f32.s32 v8  }
0x11b: {  	v9 =	vcvt.f32.s32 v9  }
0x11c: {  	v8 =	vshll.u32 v8, $0x9;
	v10 =	vsub.f32 v10, v4  }
0x11d: {  	v8 =	vsub.s32 v9, v8  }
0x11e: {  	v8 =	vadd.s32 $0x3FE00, v8;
	v9 =	vmul.f32 $2.550000000e+02, v10  }
0x11f: {  	vm0 =	vgt.s32 v8, $0x0  }
0x120: {  	v8 =	vnsel vm0, $0x0, v8;
	v9 =	vmul.f32 v9, v7  }
0x121: {  	v8 =	vmin.u32 v8, $0x3FFFF  }
0x122: {  	[tilespmem:s0+$0xCC10] =	vst v8  }
0x123: {  	[tilespmem:s0+$0xD890] =	vst v9  }
0x124: {  	v8 =	vld [tilespmem:s1+$0xFFFFFFE0]  }
0x125: {  	v9 =	vld [tilespmem:s1+$0xFFFFFF60];
	_ =	sdelay $0x3  }
.Ltmp6:
0x126: {  	v8 =	vsub.f32 v8, v3;
	(pc) =	sbr.rel @p2 .LBB2_7-.Ltmp6, $4  }
0x127: {  	v9 =	vsub.f32 v9, v2  }
0x128: {  	v11 =	vmul.f32 $5.110000000e+02, v8  }
0x129: {  	v10 =	vmul.f32 $5.110000000e+02, v9  }
0x12a: {  	v8 =	vld [tilespmem:s1+$0x60];
	v9 =	vmul.f32 v11, v6  }
0x12b: {  	v10 =	vmul.f32 v10, v5  }
0x12c: {  	v9 =	vtrunc.f32 v9  }
0x12d: {  	v10 =	vtrunc.f32 v10;
	v9 =	vcvt.f32.s32 v9  }
0x12e: {  	v10 =	vcvt.f32.s32 v10  }
0x12f: {  	v9 =	vshll.u32 v9, $0x9  }
0x130: {  	v8 =	vsub.f32 v8, v4;
	v9 =	vsub.s32 v10, v9  }
0x131: {  	v9 =	vadd.s32 $0x3FE00, v9  }
0x132: {  	v8 =	vmul.f32 $2.550000000e+02, v8;
	vm0 =	vgt.s32 v9, $0x0  }
0x133: {  	v9 =	vnsel vm0, $0x0, v9  }
0x134: {  	v8 =	vmul.f32 v8, v7;
	v9 =	vmin.u32 v9, $0x3FFFF  }
0x135: {  	[tilespmem:s0+$0xCC20] =	vst v9  }
0x136: {  	[tilespmem:s0+$0xD8A0] =	vst v8  }
0x137: {  	v8 =	vld [tilespmem:s4+$0xFFFFFFF0]  }
0x138: {  	v9 =	vld [tilespmem:s4+$0xFFFFFF70];
	_ =	sdelay $0x3  }
0x139: {  	v8 =	vsub.f32 v8, v3  }
0x13a: {  	v9 =	vsub.f32 v9, v2  }
0x13b: {  	v8 =	vmul.f32 $5.110000000e+02, v8  }
0x13c: {  	v54 =	vld [tilespmem:s4+$0x70];
	v9 =	vmul.f32 $5.110000000e+02, v9  }
0x13d: {  	v8 =	vmul.f32 v8, v6  }
0x13e: {  	v9 =	vmul.f32 v9, v5  }
0x13f: {  	v8 =	vtrunc.f32 v8  }
0x140: {  	v9 =	vtrunc.f32 v9;
	v8 =	vcvt.f32.s32 v8  }
0x141: {  	v10 =	vsub.f32 v54, v4;
	v9 =	vcvt.f32.s32 v9  }
0x142: {  	v8 =	vshll.u32 v8, $0x9  }
0x143: {  	v10 =	vmul.f32 $2.550000000e+02, v10;
	v8 =	vsub.s32 v9, v8  }
0x144: {  	v8 =	vadd.s32 $0x3FE00, v8  }
0x145: {  	v55 =	vmul.f32 v10, v7;
	vm11 =	vgt.s32 v8, $0x0  }
0x146: {  	v8 =	vnsel vm11, $0x0, v8  }
0x147: {  	[tilespmem:s0+$0xD8B0] =	vst v55;
	v8 =	vmin.u32 v8, $0x3FFFF  }
0x148: {  	[tilespmem:s0+$0xCC30] =	vst v8  }
0x149: {  	v8 =	vld [tilespmem:s4+$0x0]  }
0x14a: {  	v9 =	vld [tilespmem:s4+$0xFFFFFF80];
	_ =	sdelay $0x3  }
0x14b: {  	v8 =	vsub.f32 v8, v3  }
0x14c: {  	v9 =	vsub.f32 v9, v2  }
0x14d: {  	v8 =	vmul.f32 $5.110000000e+02, v8  }
0x14e: {  	v56 =	vld [tilespmem:s4+$0x80];
	v9 =	vmul.f32 $5.110000000e+02, v9  }
0x14f: {  	v8 =	vmul.f32 v8, v6  }
0x150: {  	v9 =	vmul.f32 v9, v5  }
0x151: {  	v8 =	vtrunc.f32 v8  }
0x152: {  	v9 =	vtrunc.f32 v9;
	v8 =	vcvt.f32.s32 v8  }
0x153: {  	v10 =	vsub.f32 v56, v4;
	v9 =	vcvt.f32.s32 v9  }
0x154: {  	v8 =	vshll.u32 v8, $0x9  }
0x155: {  	v10 =	vmul.f32 $2.550000000e+02, v10;
	v8 =	vsub.s32 v9, v8  }
0x156: {  	v8 =	vadd.s32 $0x3FE00, v8  }
0x157: {  	v57 =	vmul.f32 v10, v7;
	vm12 =	vgt.s32 v8, $0x0  }
0x158: {  	v8 =	vnsel vm12, $0x0, v8  }
0x159: {  	[tilespmem:s0+$0xD8C0] =	vst v57;
	v8 =	vmin.u32 v8, $0x3FFFF  }
0x15a: {  	[tilespmem:s0+$0xCC40] =	vst v8  }
0x15b: {  	v8 =	vld [tilespmem:s4+$0x10]  }
0x15c: {  	v9 =	vld [tilespmem:s4+$0xFFFFFF90];
	_ =	sdelay $0x3  }
0x15d: {  	v8 =	vsub.f32 v8, v3  }
0x15e: {  	v9 =	vsub.f32 v9, v2  }
0x15f: {  	v8 =	vmul.f32 $5.110000000e+02, v8  }
0x160: {  	v58 =	vld [tilespmem:s4+$0x90];
	v9 =	vmul.f32 $5.110000000e+02, v9  }
0x161: {  	v8 =	vmul.f32 v8, v6  }
0x162: {  	v9 =	vmul.f32 v9, v5  }
0x163: {  	v8 =	vtrunc.f32 v8  }
0x164: {  	v9 =	vtrunc.f32 v9;
	v8 =	vcvt.f32.s32 v8  }
0x165: {  	v10 =	vsub.f32 v58, v4;
	v9 =	vcvt.f32.s32 v9  }
0x166: {  	v8 =	vshll.u32 v8, $0x9  }
0x167: {  	v10 =	vmul.f32 $2.550000000e+02, v10;
	v8 =	vsub.s32 v9, v8  }
0x168: {  	v8 =	vadd.s32 $0x3FE00, v8  }
0x169: {  	v59 =	vmul.f32 v10, v7;
	vm13 =	vgt.s32 v8, $0x0  }
0x16a: {  	v8 =	vnsel vm13, $0x0, v8  }
0x16b: {  	[tilespmem:s0+$0xD8D0] =	vst v59;
	v8 =	vmin.u32 v8, $0x3FFFF  }
0x16c: {  	[tilespmem:s0+$0xCC50] =	vst v8  }
0x16d: {  	v8 =	vld [tilespmem:s4+$0x20]  }
0x16e: {  	v9 =	vld [tilespmem:s4+$0xFFFFFFA0];
	_ =	sdelay $0x3  }
0x16f: {  	v8 =	vsub.f32 v8, v3  }
0x170: {  	v9 =	vsub.f32 v9, v2  }
0x171: {  	v8 =	vmul.f32 $5.110000000e+02, v8  }
0x172: {  	v60 =	vld [tilespmem:s4+$0xA0];
	v9 =	vmul.f32 $5.110000000e+02, v9  }
0x173: {  	v8 =	vmul.f32 v8, v6  }
0x174: {  	v9 =	vmul.f32 v9, v5  }
0x175: {  	v8 =	vtrunc.f32 v8  }
0x176: {  	v9 =	vtrunc.f32 v9;
	v8 =	vcvt.f32.s32 v8  }
0x177: {  	v10 =	vsub.f32 v60, v4;
	v9 =	vcvt.f32.s32 v9  }
0x178: {  	v8 =	vshll.u32 v8, $0x9  }
0x179: {  	v10 =	vmul.f32 $2.550000000e+02, v10;
	v8 =	vsub.s32 v9, v8  }
0x17a: {  	v8 =	vadd.s32 $0x3FE00, v8  }
0x17b: {  	v61 =	vmul.f32 v10, v7;
	vm14 =	vgt.s32 v8, $0x0  }
0x17c: {  	v8 =	vnsel vm14, $0x0, v8  }
0x17d: {  	[tilespmem:s0+$0xD8E0] =	vst v61;
	v8 =	vmin.u32 v8, $0x3FFFF  }
0x17e: {  	[tilespmem:s0+$0xCC60] =	vst v8  }
0x17f: {  	v8 =	vld [tilespmem:s4+$0x30]  }
0x180: {  	v9 =	vld [tilespmem:s4+$0xFFFFFFB0];
	_ =	sdelay $0x3  }
0x181: {  	v8 =	vsub.f32 v8, v3  }
0x182: {  	v9 =	vsub.f32 v9, v2  }
0x183: {  	v8 =	vmul.f32 $5.110000000e+02, v8  }
0x184: {  	v62 =	vld [tilespmem:s4+$0xB0];
	v9 =	vmul.f32 $5.110000000e+02, v9  }
0x185: {  	v8 =	vmul.f32 v8, v6  }
0x186: {  	v9 =	vmul.f32 v9, v5  }
0x187: {  	v8 =	vtrunc.f32 v8  }
0x188: {  	v9 =	vtrunc.f32 v9;
	v8 =	vcvt.f32.s32 v8  }
0x189: {  	v10 =	vsub.f32 v62, v4;
	v9 =	vcvt.f32.s32 v9  }
0x18a: {  	v8 =	vshll.u32 v8, $0x9  }
0x18b: {  	v10 =	vmul.f32 $2.550000000e+02, v10;
	v8 =	vsub.s32 v9, v8  }
0x18c: {  	v8 =	vadd.s32 $0x3FE00, v8  }
0x18d: {  	v63 =	vmul.f32 v10, v7;
	vm15 =	vgt.s32 v8, $0x0  }
0x18e: {  	v8 =	vnsel vm15, $0x0, v8  }
.Ltmp7:
0x18f: {  	[tilespmem:s0+$0xD8F0] =	vst v63;
	v8 =	vmin.u32 v8, $0x3FFFF;
	(pc) =	sbr.rel @p1 .LBB2_12-.Ltmp7, $4  }
0x190: {  	[tilespmem:s0+$0xCC70] =	vst v8  }
0x191: {  	[spmem:s2] =	stream.indirect.scatter.add.f32 [tilespmem:s20], [sflag:$0x1], $0x1, s19, s18, $0xb8;
	[tilespmem:$0x1CA80] =	vst v63  }
0x192: {  	_ = 	snop  }
0x193: {  	[spmem:s3] =	stream.indirect.scatter.add.f32 [tilespmem:s21], [sflag:$0x1], $0x1, s19, s18, $0xb8;
	[tilespmem:$0x1CA80] =	vst v63  }
0x194: {  	_ =	swait.ge [sflag:s22], $0x6400  }
0x195: {  	[sflag:s22] =	ssyncset.done $0x0  }
0x196: {  	s0 =	simm.s32 @!p0 $0x2;
	[sflag:s22] =	ssyncadd.s32 $0xFFFF9C00  }
0x197: {  	_ =	swait.ge @!p0 [sflag:s0], $0xC80  }
0x198: {  	[sflag:s0] =	ssyncset.done @!p0 $0x0  }
0x199: {  	[sflag:s0] =	ssyncadd.s32 @!p0 $0xFFFFF380  }
0x19a: {  	_ =	swait.ge @!p0 [sflag:s0], $0xC80  }
0x19b: {  	[sflag:s0] =	ssyncset.done @!p0 $0x0  }
0x19c: {  	s1 =	simm.s32 $0x64C0;
	[sflag:s0] =	ssyncadd.s32 @!p0 $0xFFFFF380  }
0x19d: {  	v8 =	vld [tilespmem:s1+$0xFFFFFFC0]  }
0x19e: {  	v9 =	vld [tilespmem:s1+$0xFFFFFF40];
	_ =	sdelay $0x3  }
0x19f: {  	v8 =	vsub.f32 v8, v3  }
0x1a0: {  	v9 =	vsub.f32 v9, v2  }
0x1a1: {  	v8 =	vmul.f32 $5.110000000e+02, v8  }
0x1a2: {  	v10 =	vld [tilespmem:s1+$0x40];
	v9 =	vmul.f32 $5.110000000e+02, v9  }
0x1a3: {  	v8 =	vmul.f32 v8, v6  }
0x1a4: {  	v9 =	vmul.f32 v9, v5  }
0x1a5: {  	v8 =	vtrunc.f32 v8  }
0x1a6: {  	v9 =	vtrunc.f32 v9;
	v8 =	vcvt.f32.s32 v8  }
0x1a7: {  	v10 =	vsub.f32 v10, v4;
	v9 =	vcvt.f32.s32 v9  }
0x1a8: {  	v8 =	vshll.u32 v8, $0x9  }
0x1a9: {  	v10 =	vmul.f32 $2.550000000e+02, v10;
	v8 =	vsub.s32 v9, v8  }
0x1aa: {  	v8 =	vadd.s32 $0x3FE00, v8  }
0x1ab: {  	v9 =	vmul.f32 v10, v7;
	vm0 =	vgt.s32 v8, $0x0  }
0x1ac: {  	s0 =	simm.s32 $0x0;
	v8 =	vnsel vm0, $0x0, v8  }
0x1ad: {  	[tilespmem:s0+$0xF180] =	vst v9;
	v8 =	vmin.u32 v8, $0x3FFFF  }
0x1ae: {  	[tilespmem:s0+$0xE500] =	vst v8  }
0x1af: {  	v8 =	vld [tilespmem:s1+$0xFFFFFFD0]  }
0x1b0: {  	v9 =	vld [tilespmem:s1+$0xFFFFFF50];
	_ =	sdelay $0x3  }
0x1b1: {  	v8 =	vsub.f32 v8, v3  }
0x1b2: {  	v9 =	vsub.f32 v9, v2  }
0x1b3: {  	v8 =	vmul.f32 $5.110000000e+02, v8  }
0x1b4: {  	v10 =	vld [tilespmem:s1+$0x50];
	v9 =	vmul.f32 $5.110000000e+02, v9  }
0x1b5: {  	v8 =	vmul.f32 v8, v6  }
0x1b6: {  	v9 =	vmul.f32 v9, v5  }
0x1b7: {  	v8 =	vtrunc.f32 v8  }
0x1b8: {  	v9 =	vtrunc.f32 v9;
	v8 =	vcvt.f32.s32 v8  }
0x1b9: {  	v10 =	vsub.f32 v10, v4;
	v9 =	vcvt.f32.s32 v9  }
0x1ba: {  	v8 =	vshll.u32 v8, $0x9  }
0x1bb: {  	v8 =	vsub.s32 v9, v8;
	v9 =	vmul.f32 $2.550000000e+02, v10  }
0x1bc: {  	v8 =	vadd.s32 $0x3FE00, v8  }
0x1bd: {  	vm15 =	vgt.s32 v8, $0x0;
	v9 =	vmul.f32 v9, v7  }
0x1be: {  	v8 =	vnsel vm15, $0x0, v8  }
0x1bf: {  	v8 =	vmin.u32 v8, $0x3FFFF;
	[tilespmem:s0+$0xF190] =	vst v9  }
0x1c0: {  	[tilespmem:s0+$0xE510] =	vst v8  }
0x1c1: {  	v8 =	vld [tilespmem:s1+$0xFFFFFFE0];
	_ =	sdelay $0x1  }
0x1c2: {  	v9 =	vld [tilespmem:s1+$0xFFFFFF60];
	_ =	sdelay $0x2  }
0x1c3: {  	v8 =	vsub.f32 v8, v3;
	_ =	sdelay $0x1  }
0x1c4: {  	v9 =	vsub.f32 v9, v2;
	v11 =	vmul.f32 $5.110000000e+02, v8;
	_ =	sdelay $0x1  }
0x1c5: {  	s16 =	simm.s32 $0x200;
	s4 =	simm.s32 $0x64C0;
	v10 =	vmul.f32 $5.110000000e+02, v9;
	v8 =	vld [tilespmem:s1+$0x60];
	v9 =	vmul.f32 v11, v6  }
.LBB2_10:
0x1c6: {  	p0 =	sne.s32 s16, $0x3000  }
0x1c7: {  	v10 =	vmul.f32 v10, v5;
	s1 =	sadd.s32 $0x400, s1;
	s28 =	smov.u32 s16;
	s16 =	sadd.s32 $0x200, s16  }
0x1c8: {  	v9 =	vtrunc.f32 v9  }
0x1c9: {  	v10 =	vtrunc.f32 v10;
	v9 =	vcvt.f32.s32 v9  }
0x1ca: {  	v10 =	vcvt.f32.s32 v10  }
0x1cb: {  	v9 =	vshll.u32 v9, $0x9;
	v8 =	vsub.f32 v8, v4  }
0x1cc: {  	v9 =	vsub.s32 v10, v9  }
0x1cd: {  	v9 =	vadd.s32 $0x3FE00, v9;
	v8 =	vmul.f32 $2.550000000e+02, v8  }
0x1ce: {  	vm0 =	vgt.s32 v9, $0x0  }
0x1cf: {  	v9 =	vnsel vm0, $0x0, v9;
	v8 =	vmul.f32 v8, v7  }
0x1d0: {  	v9 =	vmin.u32 v9, $0x3FFFF  }
0x1d1: {  	[tilespmem:s0+$0xE520] =	vst v9  }
0x1d2: {  	[tilespmem:s0+$0xF1A0] =	vst v8  }
0x1d3: {  	v8 =	vld [tilespmem:s4+$0xFFFFFFF0]  }
0x1d4: {  	v9 =	vld [tilespmem:s4+$0xFFFFFF70]  }
0x1d5: {  	v10 =	vld [tilespmem:s4+$0x70];
	_ =	sdelay $0x2  }
0x1d6: {  	v8 =	vsub.f32 v8, v3  }
0x1d7: {  	v9 =	vsub.f32 v9, v2  }
0x1d8: {  	v8 =	vmul.f32 $5.110000000e+02, v8;
	v10 =	vsub.f32 v10, v4  }
0x1d9: {  	v9 =	vmul.f32 $5.110000000e+02, v9  }
0x1da: {  	v8 =	vmul.f32 v8, v6;
	v10 =	vmul.f32 $2.550000000e+02, v10  }
0x1db: {  	v9 =	vmul.f32 v9, v5  }
0x1dc: {  	v8 =	vtrunc.f32 v8;
	v10 =	vmul.f32 v10, v7  }
0x1dd: {  	v9 =	vtrunc.f32 v9;
	v8 =	vcvt.f32.s32 v8  }
0x1de: {  	v9 =	vcvt.f32.s32 v9;
	[tilespmem:s0+$0xF1B0] =	vst v10  }
0x1df: {  	v8 =	vshll.u32 v8, $0x9  }
0x1e0: {  	v8 =	vsub.s32 v9, v8  }
0x1e1: {  	v8 =	vadd.s32 $0x3FE00, v8  }
0x1e2: {  	vm0 =	vgt.s32 v8, $0x0  }
0x1e3: {  	v8 =	vnsel vm0, $0x0, v8  }
0x1e4: {  	v8 =	vmin.u32 v8, $0x3FFFF  }
0x1e5: {  	[tilespmem:s0+$0xE530] =	vst v8  }
0x1e6: {  	v8 =	vld [tilespmem:s4+$0x0]  }
0x1e7: {  	v9 =	vld [tilespmem:s4+$0xFFFFFF80]  }
0x1e8: {  	v10 =	vld [tilespmem:s4+$0x80];
	_ =	sdelay $0x2  }
0x1e9: {  	v8 =	vsub.f32 v8, v3  }
0x1ea: {  	v9 =	vsub.f32 v9, v2  }
0x1eb: {  	v8 =	vmul.f32 $5.110000000e+02, v8;
	v10 =	vsub.f32 v10, v4  }
0x1ec: {  	v9 =	vmul.f32 $5.110000000e+02, v9  }
0x1ed: {  	v8 =	vmul.f32 v8, v6;
	v10 =	vmul.f32 $2.550000000e+02, v10  }
0x1ee: {  	v9 =	vmul.f32 v9, v5  }
0x1ef: {  	v8 =	vtrunc.f32 v8;
	v10 =	vmul.f32 v10, v7  }
0x1f0: {  	v9 =	vtrunc.f32 v9;
	v8 =	vcvt.f32.s32 v8  }
0x1f1: {  	v9 =	vcvt.f32.s32 v9;
	[tilespmem:s0+$0xF1C0] =	vst v10  }
0x1f2: {  	v8 =	vshll.u32 v8, $0x9  }
0x1f3: {  	v8 =	vsub.s32 v9, v8  }
0x1f4: {  	v8 =	vadd.s32 $0x3FE00, v8  }
0x1f5: {  	vm0 =	vgt.s32 v8, $0x0  }
0x1f6: {  	v8 =	vnsel vm0, $0x0, v8  }
0x1f7: {  	v8 =	vmin.u32 v8, $0x3FFFF  }
0x1f8: {  	[tilespmem:s0+$0xE540] =	vst v8  }
0x1f9: {  	v8 =	vld [tilespmem:s4+$0x10]  }
0x1fa: {  	v9 =	vld [tilespmem:s4+$0xFFFFFF90]  }
0x1fb: {  	v10 =	vld [tilespmem:s4+$0x90];
	_ =	sdelay $0x2  }
0x1fc: {  	v8 =	vsub.f32 v8, v3  }
0x1fd: {  	v9 =	vsub.f32 v9, v2  }
0x1fe: {  	v8 =	vmul.f32 $5.110000000e+02, v8;
	v10 =	vsub.f32 v10, v4  }
0x1ff: {  	v9 =	vmul.f32 $5.110000000e+02, v9  }
0x200: {  	v8 =	vmul.f32 v8, v6;
	v10 =	vmul.f32 $2.550000000e+02, v10  }
0x201: {  	v9 =	vmul.f32 v9, v5  }
0x202: {  	v8 =	vtrunc.f32 v8;
	v10 =	vmul.f32 v10, v7  }
0x203: {  	v9 =	vtrunc.f32 v9;
	v8 =	vcvt.f32.s32 v8  }
0x204: {  	v9 =	vcvt.f32.s32 v9;
	[tilespmem:s0+$0xF1D0] =	vst v10  }
0x205: {  	v8 =	vshll.u32 v8, $0x9  }
0x206: {  	v8 =	vsub.s32 v9, v8  }
0x207: {  	v8 =	vadd.s32 $0x3FE00, v8  }
0x208: {  	vm0 =	vgt.s32 v8, $0x0  }
0x209: {  	v8 =	vnsel vm0, $0x0, v8  }
0x20a: {  	v8 =	vmin.u32 v8, $0x3FFFF  }
0x20b: {  	[tilespmem:s0+$0xE550] =	vst v8  }
0x20c: {  	v8 =	vld [tilespmem:s4+$0x20]  }
0x20d: {  	v9 =	vld [tilespmem:s4+$0xFFFFFFA0]  }
0x20e: {  	v10 =	vld [tilespmem:s4+$0xA0];
	_ =	sdelay $0x2  }
0x20f: {  	v8 =	vsub.f32 v8, v3  }
0x210: {  	v9 =	vsub.f32 v9, v2  }
0x211: {  	v8 =	vmul.f32 $5.110000000e+02, v8;
	v10 =	vsub.f32 v10, v4  }
0x212: {  	v9 =	vmul.f32 $5.110000000e+02, v9  }
0x213: {  	v8 =	vmul.f32 v8, v6;
	v10 =	vmul.f32 $2.550000000e+02, v10  }
0x214: {  	v9 =	vmul.f32 v9, v5  }
0x215: {  	v8 =	vtrunc.f32 v8;
	v10 =	vmul.f32 v10, v7  }
0x216: {  	v9 =	vtrunc.f32 v9;
	v8 =	vcvt.f32.s32 v8  }
0x217: {  	v9 =	vcvt.f32.s32 v9;
	[tilespmem:s0+$0xF1E0] =	vst v10  }
0x218: {  	v8 =	vshll.u32 v8, $0x9  }
0x219: {  	v8 =	vsub.s32 v9, v8  }
0x21a: {  	v8 =	vadd.s32 $0x3FE00, v8  }
0x21b: {  	vm0 =	vgt.s32 v8, $0x0  }
0x21c: {  	v8 =	vnsel vm0, $0x0, v8  }
0x21d: {  	v8 =	vmin.u32 v8, $0x3FFFF  }
0x21e: {  	[tilespmem:s0+$0xE560] =	vst v8  }
0x21f: {  	v8 =	vld [tilespmem:s4+$0x30]  }
0x220: {  	v9 =	vld [tilespmem:s4+$0xFFFFFFB0]  }
0x221: {  	v10 =	vld [tilespmem:s4+$0xB0];
	s4 =	smov.u32 s1;
	_ =	sdelay $0x2  }
0x222: {  	v8 =	vsub.f32 v8, v3  }
0x223: {  	v9 =	vsub.f32 v9, v2  }
0x224: {  	v8 =	vmul.f32 $5.110000000e+02, v8;
	v10 =	vsub.f32 v10, v4  }
0x225: {  	v9 =	vmul.f32 $5.110000000e+02, v9  }
0x226: {  	v8 =	vmul.f32 v8, v6;
	v10 =	vmul.f32 $2.550000000e+02, v10  }
0x227: {  	v9 =	vmul.f32 v9, v5  }
0x228: {  	v8 =	vtrunc.f32 v8;
	v10 =	vmul.f32 v10, v7  }
0x229: {  	v9 =	vtrunc.f32 v9;
	v8 =	vcvt.f32.s32 v8  }
0x22a: {  	v9 =	vcvt.f32.s32 v9;
	[tilespmem:s0+$0xF1F0] =	vst v10  }
0x22b: {  	v8 =	vshll.u32 v8, $0x9  }
0x22c: {  	v8 =	vsub.s32 v9, v8  }
0x22d: {  	v8 =	vadd.s32 $0x3FE00, v8  }
0x22e: {  	vm0 =	vgt.s32 v8, $0x0  }
0x22f: {  	v8 =	vnsel vm0, $0x0, v8  }
0x230: {  	v8 =	vmin.u32 v8, $0x3FFFF  }
0x231: {  	[tilespmem:s0+$0xE570] =	vst v8  }
0x232: {  	v8 =	vld [tilespmem:s1+$0xFFFFFFC0]  }
0x233: {  	v9 =	vld [tilespmem:s1+$0xFFFFFF40];
	_ =	sdelay $0x3  }
0x234: {  	v10 =	vld [tilespmem:s1+$0x40];
	v8 =	vsub.f32 v8, v3  }
0x235: {  	v9 =	vsub.f32 v9, v2  }
0x236: {  	v8 =	vmul.f32 $5.110000000e+02, v8  }
0x237: {  	v9 =	vmul.f32 $5.110000000e+02, v9  }
0x238: {  	v8 =	vmul.f32 v8, v6  }
0x239: {  	v9 =	vmul.f32 v9, v5;
	v10 =	vsub.f32 v10, v4  }
0x23a: {  	v8 =	vtrunc.f32 v8  }
0x23b: {  	v9 =	vtrunc.f32 v9;
	v8 =	vcvt.f32.s32 v8  }
0x23c: {  	v10 =	vmul.f32 $2.550000000e+02, v10;
	v9 =	vcvt.f32.s32 v9  }
0x23d: {  	v8 =	vshll.u32 v8, $0x9  }
0x23e: {  	v8 =	vsub.s32 v9, v8;
	v9 =	vmul.f32 v10, v7  }
0x23f: {  	v8 =	vadd.s32 $0x3FE00, v8  }
0x240: {  	vm0 =	vgt.s32 v8, $0x0  }
0x241: {  	s0 =	sshra.s32 s28, $0x2;
	v8 =	vnsel vm0, $0x0, v8  }
0x242: {  	v8 =	vmin.u32 v8, $0x3FFFF;
	[tilespmem:s0+$0xF180] =	vst v9  }
0x243: {  	[tilespmem:s0+$0xE500] =	vst v8  }
0x244: {  	v8 =	vld [tilespmem:s1+$0xFFFFFFD0]  }
0x245: {  	v9 =	vld [tilespmem:s1+$0xFFFFFF50];
	_ =	sdelay $0x3  }
0x246: {  	v8 =	vsub.f32 v8, v3  }
0x247: {  	v9 =	vsub.f32 v9, v2  }
0x248: {  	v8 =	vmul.f32 $5.110000000e+02, v8  }
0x249: {  	v9 =	vmul.f32 $5.110000000e+02, v9  }
0x24a: {  	v10 =	vld [tilespmem:s1+$0x50];
	v8 =	vmul.f32 v8, v6  }
0x24b: {  	v9 =	vmul.f32 v9, v5  }
0x24c: {  	v8 =	vtrunc.f32 v8  }
0x24d: {  	v9 =	vtrunc.f32 v9;
	v8 =	vcvt.f32.s32 v8  }
0x24e: {  	v9 =	vcvt.f32.s32 v9  }
0x24f: {  	v8 =	vshll.u32 v8, $0x9;
	v10 =	vsub.f32 v10, v4  }
0x250: {  	v8 =	vsub.s32 v9, v8  }
0x251: {  	v8 =	vadd.s32 $0x3FE00, v8;
	v9 =	vmul.f32 $2.550000000e+02, v10  }
0x252: {  	vm0 =	vgt.s32 v8, $0x0  }
0x253: {  	v8 =	vnsel vm0, $0x0, v8;
	v9 =	vmul.f32 v9, v7  }
0x254: {  	v8 =	vmin.u32 v8, $0x3FFFF  }
0x255: {  	[tilespmem:s0+$0xE510] =	vst v8  }
0x256: {  	[tilespmem:s0+$0xF190] =	vst v9  }
0x257: {  	v8 =	vld [tilespmem:s1+$0xFFFFFFE0]  }
0x258: {  	v9 =	vld [tilespmem:s1+$0xFFFFFF60];
	_ =	sdelay $0x3  }
.Ltmp8:
0x259: {  	v8 =	vsub.f32 v8, v3;
	(pc) =	sbr.rel @p0 .LBB2_10-.Ltmp8, $4  }
0x25a: {  	v9 =	vsub.f32 v9, v2  }
0x25b: {  	v11 =	vmul.f32 $5.110000000e+02, v8  }
0x25c: {  	v10 =	vmul.f32 $5.110000000e+02, v9  }
0x25d: {  	v8 =	vld [tilespmem:s1+$0x60];
	v9 =	vmul.f32 v11, v6  }
0x25e: {  	v10 =	vmul.f32 v10, v5  }
0x25f: {  	v9 =	vtrunc.f32 v9  }
0x260: {  	v10 =	vtrunc.f32 v10;
	v9 =	vcvt.f32.s32 v9  }
0x261: {  	v10 =	vcvt.f32.s32 v10  }
0x262: {  	v9 =	vshll.u32 v9, $0x9  }
0x263: {  	v8 =	vsub.f32 v8, v4;
	v9 =	vsub.s32 v10, v9  }
0x264: {  	v9 =	vadd.s32 $0x3FE00, v9  }
0x265: {  	v8 =	vmul.f32 $2.550000000e+02, v8;
	vm0 =	vgt.s32 v9, $0x0  }
0x266: {  	v9 =	vnsel vm0, $0x0, v9  }
0x267: {  	v8 =	vmul.f32 v8, v7;
	v9 =	vmin.u32 v9, $0x3FFFF  }
0x268: {  	[tilespmem:s0+$0xE520] =	vst v9  }
0x269: {  	[tilespmem:s0+$0xF1A0] =	vst v8  }
0x26a: {  	v8 =	vld [tilespmem:s4+$0xFFFFFFF0]  }
0x26b: {  	v9 =	vld [tilespmem:s4+$0xFFFFFF70];
	_ =	sdelay $0x3  }
0x26c: {  	v8 =	vsub.f32 v8, v3  }
0x26d: {  	v9 =	vsub.f32 v9, v2  }
0x26e: {  	v8 =	vmul.f32 $5.110000000e+02, v8  }
0x26f: {  	v54 =	vld [tilespmem:s4+$0x70];
	v9 =	vmul.f32 $5.110000000e+02, v9  }
0x270: {  	v8 =	vmul.f32 v8, v6  }
0x271: {  	v9 =	vmul.f32 v9, v5  }
0x272: {  	v8 =	vtrunc.f32 v8  }
0x273: {  	v9 =	vtrunc.f32 v9;
	v8 =	vcvt.f32.s32 v8  }
0x274: {  	v10 =	vsub.f32 v54, v4;
	v9 =	vcvt.f32.s32 v9  }
0x275: {  	v8 =	vshll.u32 v8, $0x9  }
0x276: {  	v10 =	vmul.f32 $2.550000000e+02, v10;
	v8 =	vsub.s32 v9, v8  }
0x277: {  	v8 =	vadd.s32 $0x3FE00, v8  }
0x278: {  	v55 =	vmul.f32 v10, v7;
	vm11 =	vgt.s32 v8, $0x0  }
0x279: {  	v8 =	vnsel vm11, $0x0, v8  }
0x27a: {  	[tilespmem:s0+$0xF1B0] =	vst v55;
	v8 =	vmin.u32 v8, $0x3FFFF  }
0x27b: {  	[tilespmem:s0+$0xE530] =	vst v8  }
0x27c: {  	v8 =	vld [tilespmem:s4+$0x0]  }
0x27d: {  	v9 =	vld [tilespmem:s4+$0xFFFFFF80];
	_ =	sdelay $0x3  }
0x27e: {  	v8 =	vsub.f32 v8, v3  }
0x27f: {  	v9 =	vsub.f32 v9, v2  }
0x280: {  	v8 =	vmul.f32 $5.110000000e+02, v8  }
0x281: {  	v56 =	vld [tilespmem:s4+$0x80];
	v9 =	vmul.f32 $5.110000000e+02, v9  }
0x282: {  	v8 =	vmul.f32 v8, v6  }
0x283: {  	v9 =	vmul.f32 v9, v5  }
0x284: {  	v8 =	vtrunc.f32 v8  }
0x285: {  	v9 =	vtrunc.f32 v9;
	v8 =	vcvt.f32.s32 v8  }
0x286: {  	v10 =	vsub.f32 v56, v4;
	v9 =	vcvt.f32.s32 v9  }
0x287: {  	v8 =	vshll.u32 v8, $0x9  }
0x288: {  	v10 =	vmul.f32 $2.550000000e+02, v10;
	v8 =	vsub.s32 v9, v8  }
0x289: {  	v8 =	vadd.s32 $0x3FE00, v8  }
0x28a: {  	v57 =	vmul.f32 v10, v7;
	vm12 =	vgt.s32 v8, $0x0  }
0x28b: {  	v8 =	vnsel vm12, $0x0, v8  }
0x28c: {  	[tilespmem:s0+$0xF1C0] =	vst v57;
	v8 =	vmin.u32 v8, $0x3FFFF  }
0x28d: {  	[tilespmem:s0+$0xE540] =	vst v8  }
0x28e: {  	v8 =	vld [tilespmem:s4+$0x10]  }
0x28f: {  	v9 =	vld [tilespmem:s4+$0xFFFFFF90];
	_ =	sdelay $0x3  }
0x290: {  	v8 =	vsub.f32 v8, v3  }
0x291: {  	v9 =	vsub.f32 v9, v2  }
0x292: {  	v8 =	vmul.f32 $5.110000000e+02, v8  }
0x293: {  	v58 =	vld [tilespmem:s4+$0x90];
	v9 =	vmul.f32 $5.110000000e+02, v9  }
0x294: {  	v8 =	vmul.f32 v8, v6  }
0x295: {  	v9 =	vmul.f32 v9, v5  }
0x296: {  	v8 =	vtrunc.f32 v8  }
0x297: {  	v9 =	vtrunc.f32 v9;
	v8 =	vcvt.f32.s32 v8  }
0x298: {  	v10 =	vsub.f32 v58, v4;
	v9 =	vcvt.f32.s32 v9  }
0x299: {  	v8 =	vshll.u32 v8, $0x9  }
0x29a: {  	v10 =	vmul.f32 $2.550000000e+02, v10;
	v8 =	vsub.s32 v9, v8  }
0x29b: {  	v8 =	vadd.s32 $0x3FE00, v8  }
0x29c: {  	v59 =	vmul.f32 v10, v7;
	vm13 =	vgt.s32 v8, $0x0  }
0x29d: {  	v8 =	vnsel vm13, $0x0, v8  }
0x29e: {  	[tilespmem:s0+$0xF1D0] =	vst v59;
	v8 =	vmin.u32 v8, $0x3FFFF  }
0x29f: {  	[tilespmem:s0+$0xE550] =	vst v8  }
0x2a0: {  	v8 =	vld [tilespmem:s4+$0x20]  }
0x2a1: {  	v9 =	vld [tilespmem:s4+$0xFFFFFFA0];
	_ =	sdelay $0x3  }
0x2a2: {  	v8 =	vsub.f32 v8, v3  }
0x2a3: {  	v9 =	vsub.f32 v9, v2  }
0x2a4: {  	v8 =	vmul.f32 $5.110000000e+02, v8  }
0x2a5: {  	v60 =	vld [tilespmem:s4+$0xA0];
	v9 =	vmul.f32 $5.110000000e+02, v9  }
0x2a6: {  	v8 =	vmul.f32 v8, v6  }
0x2a7: {  	v9 =	vmul.f32 v9, v5  }
0x2a8: {  	v8 =	vtrunc.f32 v8  }
0x2a9: {  	v9 =	vtrunc.f32 v9;
	v8 =	vcvt.f32.s32 v8  }
0x2aa: {  	v10 =	vsub.f32 v60, v4;
	v9 =	vcvt.f32.s32 v9  }
0x2ab: {  	v8 =	vshll.u32 v8, $0x9  }
0x2ac: {  	v10 =	vmul.f32 $2.550000000e+02, v10;
	v8 =	vsub.s32 v9, v8  }
0x2ad: {  	v8 =	vadd.s32 $0x3FE00, v8  }
0x2ae: {  	v61 =	vmul.f32 v10, v7;
	vm14 =	vgt.s32 v8, $0x0  }
0x2af: {  	v8 =	vnsel vm14, $0x0, v8  }
0x2b0: {  	[tilespmem:s0+$0xF1E0] =	vst v61;
	v8 =	vmin.u32 v8, $0x3FFFF  }
0x2b1: {  	[tilespmem:s0+$0xE560] =	vst v8  }
0x2b2: {  	v8 =	vld [tilespmem:s4+$0x30]  }
0x2b3: {  	v9 =	vld [tilespmem:s4+$0xFFFFFFB0];
	_ =	sdelay $0x3  }
0x2b4: {  	v8 =	vsub.f32 v8, v3  }
0x2b5: {  	v9 =	vsub.f32 v9, v2  }
0x2b6: {  	v8 =	vmul.f32 $5.110000000e+02, v8  }
0x2b7: {  	v62 =	vld [tilespmem:s4+$0xB0];
	v9 =	vmul.f32 $5.110000000e+02, v9  }
0x2b8: {  	v8 =	vmul.f32 v8, v6  }
0x2b9: {  	v9 =	vmul.f32 v9, v5  }
0x2ba: {  	v8 =	vtrunc.f32 v8  }
0x2bb: {  	v9 =	vtrunc.f32 v9;
	v8 =	vcvt.f32.s32 v8  }
0x2bc: {  	v10 =	vsub.f32 v62, v4;
	v9 =	vcvt.f32.s32 v9  }
0x2bd: {  	v8 =	vshll.u32 v8, $0x9  }
0x2be: {  	v10 =	vmul.f32 $2.550000000e+02, v10;
	v8 =	vsub.s32 v9, v8  }
0x2bf: {  	v8 =	vadd.s32 $0x3FE00, v8  }
0x2c0: {  	v63 =	vmul.f32 v10, v7;
	vm15 =	vgt.s32 v8, $0x0  }
0x2c1: {  	v8 =	vnsel vm15, $0x0, v8  }
.Ltmp9:
0x2c2: {  	[tilespmem:s0+$0xF1F0] =	vst v63;
	v8 =	vmin.u32 v8, $0x3FFFF;
	(pc) =	sbr.rel .LBB2_12-.Ltmp9, $4  }
0x2c3: {  	[tilespmem:s0+$0xE570] =	vst v8  }
0x2c4: {  	[spmem:s2] =	stream.indirect.scatter.add.f32 [tilespmem:s24], [sflag:$0x2], $0x1, s23, s18, $0xb8;
	[tilespmem:$0x1CA80] =	vst v63  }
0x2c5: {  	_ = 	snop  }
0x2c6: {  	[spmem:s3] =	stream.indirect.scatter.add.f32 [tilespmem:s21], [sflag:$0x2], $0x1, s23, s18, $0xb8;
	[tilespmem:$0x1CA80] =	vst v63  }
.LBB2_14:
0x2c7: {  	_ =	sfence.sel $0x180000  }
0x2c8: {  	[bflag:$0x0] =	sbarrier.arrive $0xFFFF  }
0x2c9: {  	_ =	strace $0x90000047  }
0x2ca: {  	s0 =	stileid.u32;
	[bflag:$0x2] =	sbarrier.arrive $0xFFFF  }
0x2cb: {  	p0 =	sne.s32 s0, $0x0;
	s0 =	rddreg [dreg:$0x4]  }
0x2cc: {  	s0 =	sadd.s32 @!p0 $0x100000, s0  }
0x2cd: {  	[sflag:s0] =	ssyncadd.tile.s32 @!p0 $0x1;
	_ =	shalt  }
.Lfunc_end2:
_tile_overlayer_lowered:
.L_overlay_start_2:
0x2ce: {  	(tag) =	ssettag $0x2  }
0x2cf: {  	s0 =	rddreg [dreg:$0x0];
	s2 =	stileid.u32  }
0x2d0: {  	s1 =	rddreg [dreg:$0x1];
	p0 =	sne.s32 s2, $0x0  }
0x2d1: {  	s3 =	rddreg [dreg:$0x2];
	[bflag:$0x3] =	sbarrier.arrive $0xFFFF;
	s2 =	simm.s32 @!p0 $0x1C05  }
0x2d2: {  	[timem:s3], [sflag:s2] =	dma.local @!p0 [hbm:s0], s1  }
0x2d3: {  	s0 =	simm.s32 @!p0 $0x5  }
0x2d4: {  	_ =	swait.ge @!p0 [sflag:s0], s1  }
0x2d5: {  	s1 =	ssub.s32 @!p0 $0x0, s1;
	[sflag:s0] =	ssyncset.done @!p0 $0x0  }
0x2d6: {  	[sflag:s0] =	ssyncadd.s32 @!p0 s1  }
0x2d7: {  	[bflag:$0x3] =	sbarrier.arrive $0xFFFF  }
0x2d8: {  	_ =	shalt  }

</sc_bundles>
